<compile_context>
chip_gen: v7x
topology: tpu7x:2x2x1
jax: 0.10.2.dev20260603
libtpu: 0.0.44.dev20260713+nightly
codegen_flags: <defaults>
</compile_context>

<pallas_src>
import jax
import jax.numpy as jnp
from jax import lax
from jax.experimental import pallas as pl
from jax.experimental.pallas import tpu as pltpu
from jax.experimental.pallas import tpu_sc as plsc

NUM_MOVIE = 1000000
EMBED_DIM = 128
SEQ = 16384
SLAB = 50

NC = 2
NS = 16
NW = NC * NS

B_ROWS = SEQ * SLAB
B_PER_W = B_ROWS // NW
CHUNK = 128
N_CHUNKS = B_PER_W // CHUNK
NBUF = 5
LAG = 2
N_GROUPS = N_CHUNKS // NBUF


def _gather_body(table_hbm, idx_hbm, out_hbm, idx_v, rows_v, gsem, ssem):
    c = lax.axis_index("c")
    s = lax.axis_index("s")
    wid = s * NC + c
    base = wid * B_PER_W

    pltpu.sync_copy(idx_hbm.at[wid], idx_v)

    def gather(j, b):
        pltpu.async_copy(table_hbm.at[idx_v.at[j]], rows_v.at[b], gsem.at[b])

    def wait_gather(b):
        pltpu.make_async_copy(
            table_hbm.at[idx_v.at[0]], rows_v.at[b], gsem.at[b]
        ).wait()

    def writeback(j, b):
        pltpu.async_copy(
            rows_v.at[b], out_hbm.at[pl.ds(base + j * CHUNK, CHUNK)], ssem.at[b]
        )

    def wait_writeback(b):
        pltpu.make_async_copy(
            rows_v.at[b], out_hbm.at[pl.ds(base, CHUNK)], ssem.at[b]
        ).wait()

    for b in range(NBUF):
        gather(b, b)
        if b >= LAG:
            sb = b - LAG
            wait_gather(sb)
            writeback(sb, sb)

    @pl.loop(1, N_GROUPS)
    def _(g):
        for b in range(NBUF):
            j = g * NBUF + b
            wait_writeback(b)
            gather(j, b)
            sb = (b + NBUF - LAG) % NBUF
            wait_gather(sb)
            writeback(j - LAG, sb)

    for jb in range(N_CHUNKS - LAG, N_CHUNKS):
        sb = jb % NBUF
        wait_gather(sb)
        writeback(jb, sb)
    for b in range(NBUF):
        wait_writeback(b)


@jax.jit
def _sc_gather(idx, table):
    kern = pl.kernel(
        _gather_body,
        out_type=jax.ShapeDtypeStruct((B_ROWS, EMBED_DIM), jnp.float32),
        mesh=plsc.VectorSubcoreMesh(core_axis_name="c", subcore_axis_name="s"),
        scratch_types=[
            pltpu.VMEM((N_CHUNKS, CHUNK), jnp.int32),
            pltpu.VMEM((NBUF, CHUNK, EMBED_DIM), jnp.float32),
            pltpu.SemaphoreType.DMA((NBUF,)),
            pltpu.SemaphoreType.DMA((NBUF,)),
        ],
    )
    return kern(table, idx)


def kernel(inputs, table):
    idx = jnp.transpose(inputs).reshape(NW, N_CHUNKS, CHUNK).astype(jnp.int32)
    out = _sc_gather(idx, table)
    return out.reshape(SLAB, SEQ, EMBED_DIM).transpose(1, 0, 2)

# --- scband reference (transcript-rebuilt; emitter-appended) ---
"""Pipeline reference for scband-movie-model-54881092108974 (READ-ONLY COPY).

The authoritative reference and input builder live on the scoring server;
editing this copy changes nothing except your own understanding.
"""

import jax, jax.numpy as jnp
import numpy as np

NUM_MOVIE = 1000000
EMBED_DIM = 128  # embedding_dimension * 2

def setup_inputs(seed: int = 0) -> dict:
    key = jax.random.key(seed)
    k1, k2 = jax.random.split(key)
    # Original model hashes string ids into NUM_MOVIE bins; we model the
    # post-hash bin indices directly as uniform int64 indices in [0, NUM_MOVIE).
    inputs = jax.random.randint(k1, (16384, 50), 0, NUM_MOVIE, dtype=jnp.int64)
    # Embedding table (learned parameter of tf.keras.layers.Embedding)
    table = jax.random.normal(k2, (NUM_MOVIE, EMBED_DIM), dtype=jnp.float32) * 0.02
    return {"inputs": inputs, "table": table}

def reference(inputs, table):
    # tf.strings.as_string + Hashing(num_bins=NUM_MOVIE) -> deterministic bin id;
    # here indices are already bin ids, mod keeps them in range (faithful to
    # the hashing layer guaranteeing idx in [0, num_bins)).
    idx = jnp.mod(inputs, table.shape[0])
    # Embedding lookup
    return jnp.take(table, idx, axis=0)

if __name__ == "__main__":
    import jax
    _d = setup_inputs()
    print(jax.jit(kernel)(*tuple(_d.values())))

</pallas_src>

<mosaic_0001>
#map = affine_map<(d0, d1) -> (0, 0)>
#map1 = affine_map<(d0, d1) -> (0, 0, 0)>
module attributes {stable_mosaic.version = 14 : i64} {
  func.func @_gather_body(%arg0: i32, %arg1: i32, %arg2: memref<1000000x128xf32, #tpu.memory_space<hbm>>, %arg3: memref<32x200x128xi32, #tpu.memory_space<hbm>>, %arg4: memref<819200x128xf32, #tpu.memory_space<hbm>>, %arg5: memref<200x128xi32, #tpu.memory_space<vmem>>, %arg6: memref<5x128x128xf32, #tpu.memory_space<vmem>>, %arg7: memref<5x!tpu.dma_semaphore, #tpu.memory_space<semaphore_mem>>, %arg8: memref<5x!tpu.dma_semaphore, #tpu.memory_space<semaphore_mem>>) attributes {dimension_semantics = [#tpu.dimension_semantics<core_parallel>, #tpu.dimension_semantics<subcore_parallel>], iteration_bounds = array<i64: 2, 16>, scalar_prefetch = 0 : i64, scratch_operands = 4 : i64, tpu.core_type = #tpu.core_type<sc_vector_subcore>, window_params = [{transform_indices = #map}, {transform_indices = #map1}, {transform_indices = #map}]} {
    %mul3A = arith.constant 2 : i32
    %mul3A_0 = arith.muli %arg1, %mul3A : i32
    %add3A = arith.addi %mul3A_0, %arg0 : i32
    %mul3A_1 = arith.constant 25600 : i32
    %mul3A_2 = arith.muli %add3A, %mul3A_1 : i32
    "tpu.region"() ({
      %run_scoped3A = tpu.sem_alloc : memref<!tpu.dma_semaphore, #tpu.memory_space<semaphore_mem>>
      %dma_start3A_325 = arith.constant 0 : i32
      %dma_start3A_326 = arith.constant 0 : i32
      %dma_start3A_327 = tpu.memref_slice %arg3[%add3A, %dma_start3A_325, %dma_start3A_326] : memref<32x200x128xi32, #tpu.memory_space<hbm>> -> memref<1x200x128xi32, #tpu.memory_space<hbm>>
      %dma_start3A_328 = tpu.memref_squeeze %dma_start3A_327 : memref<1x200x128xi32, #tpu.memory_space<hbm>> -> memref<200x128xi32, #tpu.memory_space<hbm>>
      %dma_start3A_329 = arith.constant 0 : i32
      %dma_start3A_330 = arith.constant 0 : i32
      %dma_start3A_331 = tpu.memref_slice %arg3[%add3A, %dma_start3A_329, %dma_start3A_330] : memref<32x200x128xi32, #tpu.memory_space<hbm>> -> memref<1x200x128xi32, #tpu.memory_space<hbm>>
      %dma_start3A_332 = tpu.memref_squeeze %dma_start3A_331 : memref<1x200x128xi32, #tpu.memory_space<hbm>> -> memref<200x128xi32, #tpu.memory_space<hbm>>
      tpu.enqueue_dma source(%dma_start3A_332 : memref<200x128xi32, #tpu.memory_space<hbm>>) target(%arg5 : memref<200x128xi32, #tpu.memory_space<vmem>>) target_semaphore(%run_scoped3A : memref<!tpu.dma_semaphore, #tpu.memory_space<semaphore_mem>>)
      %dma_wait3A_333 = arith.constant 0 : i32
      %dma_wait3A_334 = arith.constant 0 : i32
      %dma_wait3A_335 = tpu.memref_slice %arg3[%add3A, %dma_wait3A_333, %dma_wait3A_334] : memref<32x200x128xi32, #tpu.memory_space<hbm>> -> memref<1x200x128xi32, #tpu.memory_space<hbm>>
      %dma_wait3A_336 = tpu.memref_squeeze %dma_wait3A_335 : memref<1x200x128xi32, #tpu.memory_space<hbm>> -> memref<200x128xi32, #tpu.memory_space<hbm>>
      %dma_wait3A_337 = arith.constant 0 : i32
      %dma_wait3A_338 = arith.constant 0 : i32
      %dma_wait3A_339 = tpu.memref_slice %arg3[%add3A, %dma_wait3A_337, %dma_wait3A_338] : memref<32x200x128xi32, #tpu.memory_space<hbm>> -> memref<1x200x128xi32, #tpu.memory_space<hbm>>
      %dma_wait3A_340 = tpu.memref_squeeze %dma_wait3A_339 : memref<1x200x128xi32, #tpu.memory_space<hbm>> -> memref<200x128xi32, #tpu.memory_space<hbm>>
      tpu.wait_dma2 semaphore(%run_scoped3A : memref<!tpu.dma_semaphore, #tpu.memory_space<semaphore_mem>>) src(%dma_wait3A_340 : memref<200x128xi32, #tpu.memory_space<hbm>>) dst(%arg5 : memref<200x128xi32, #tpu.memory_space<vmem>>)
      tpu.yield
    }) : () -> ()
    %dma_start3A = arith.constant 0 : i32
    %dma_start3A_3 = arith.constant 0 : i32
    %dma_start3A_4 = arith.constant 0 : i32
    %dma_start3A_5 = arith.constant 0 : i32
    %dma_start3A_6 = arith.constant 0 : i32
    %dma_start3A_7 = tpu.memref_slice %arg6[%dma_start3A_3, %dma_start3A_5, %dma_start3A_6] : memref<5x128x128xf32, #tpu.memory_space<vmem>> -> memref<1x128x128xf32, #tpu.memory_space<vmem>>
    %dma_start3A_8 = tpu.memref_squeeze %dma_start3A_7 : memref<1x128x128xf32, #tpu.memory_space<vmem>> -> memref<128x128xf32, #tpu.memory_space<vmem>>
    %dma_start3A_9 = arith.constant 0 : i32
    %dma_start3A_10 = tpu.memref_slice %arg5[%dma_start3A, %dma_start3A_9] : memref<200x128xi32, #tpu.memory_space<vmem>> -> memref<1x128xi32, #tpu.memory_space<vmem>>
    %dma_start3A_11 = tpu.memref_squeeze %dma_start3A_10 : memref<1x128xi32, #tpu.memory_space<vmem>> -> memref<128xi32, #tpu.memory_space<vmem>>
    %dma_start3A_12 = arith.constant 0 : i32
    %dma_start3A_13 = arith.constant 0 : i32
    %dma_start3A_14 = tpu.memref_slice %arg2[%dma_start3A_12, %dma_start3A_13] : memref<1000000x128xf32, #tpu.memory_space<hbm>> -> memref<1000000x128xf32, #tpu.memory_space<hbm>>
    %dma_start3A_15 = tpu.memref_slice %arg7[%dma_start3A_4] : memref<5x!tpu.dma_semaphore, #tpu.memory_space<semaphore_mem>> -> memref<1x!tpu.dma_semaphore, #tpu.memory_space<semaphore_mem>>
    %dma_start3A_16 = tpu.memref_squeeze %dma_start3A_15 : memref<1x!tpu.dma_semaphore, #tpu.memory_space<semaphore_mem>> -> memref<!tpu.dma_semaphore, #tpu.memory_space<semaphore_mem>>
    tpu.enqueue_indirect_dma source(%dma_start3A_14 : memref<1000000x128xf32, #tpu.memory_space<hbm>>) target(%dma_start3A_8 : memref<128x128xf32, #tpu.memory_space<vmem>>) offsets(%dma_start3A_11 : memref<128xi32, #tpu.memory_space<vmem>>) semaphore(%dma_start3A_16 : memref<!tpu.dma_semaphore, #tpu.memory_space<semaphore_mem>>)
    %dma_start3A_17 = arith.constant 1 : i32
    %dma_start3A_18 = arith.constant 1 : i32
    %dma_start3A_19 = arith.constant 1 : i32
    %dma_start3A_20 = arith.constant 0 : i32
    %dma_start3A_21 = arith.constant 0 : i32
    %dma_start3A_22 = tpu.memref_slice %arg6[%dma_start3A_18, %dma_start3A_20, %dma_start3A_21] : memref<5x128x128xf32, #tpu.memory_space<vmem>> -> memref<1x128x128xf32, #tpu.memory_space<vmem>>
    %dma_start3A_23 = tpu.memref_squeeze %dma_start3A_22 : memref<1x128x128xf32, #tpu.memory_space<vmem>> -> memref<128x128xf32, #tpu.memory_space<vmem>>
    %dma_start3A_24 = arith.constant 0 : i32
    %dma_start3A_25 = tpu.memref_slice %arg5[%dma_start3A_17, %dma_start3A_24] : memref<200x128xi32, #tpu.memory_space<vmem>> -> memref<1x128xi32, #tpu.memory_space<vmem>>
    %dma_start3A_26 = tpu.memref_squeeze %dma_start3A_25 : memref<1x128xi32, #tpu.memory_space<vmem>> -> memref<128xi32, #tpu.memory_space<vmem>>
    %dma_start3A_27 = arith.constant 0 : i32
    %dma_start3A_28 = arith.constant 0 : i32
    %dma_start3A_29 = tpu.memref_slice %arg2[%dma_start3A_27, %dma_start3A_28] : memref<1000000x128xf32, #tpu.memory_space<hbm>> -> memref<1000000x128xf32, #tpu.memory_space<hbm>>
    %dma_start3A_30 = tpu.memref_slice %arg7[%dma_start3A_19] : memref<5x!tpu.dma_semaphore, #tpu.memory_space<semaphore_mem>> -> memref<1x!tpu.dma_semaphore, #tpu.memory_space<semaphore_mem>>
    %dma_start3A_31 = tpu.memref_squeeze %dma_start3A_30 : memref<1x!tpu.dma_semaphore, #tpu.memory_space<semaphore_mem>> -> memref<!tpu.dma_semaphore, #tpu.memory_space<semaphore_mem>>
    tpu.enqueue_indirect_dma source(%dma_start3A_29 : memref<1000000x128xf32, #tpu.memory_space<hbm>>) target(%dma_start3A_23 : memref<128x128xf32, #tpu.memory_space<vmem>>) offsets(%dma_start3A_26 : memref<128xi32, #tpu.memory_space<vmem>>) semaphore(%dma_start3A_31 : memref<!tpu.dma_semaphore, #tpu.memory_space<semaphore_mem>>)
    %dma_start3A_32 = arith.constant 2 : i32
    %dma_start3A_33 = arith.constant 2 : i32
    %dma_start3A_34 = arith.constant 2 : i32
    %dma_start3A_35 = arith.constant 0 : i32
    %dma_start3A_36 = arith.constant 0 : i32
    %dma_start3A_37 = tpu.memref_slice %arg6[%dma_start3A_33, %dma_start3A_35, %dma_start3A_36] : memref<5x128x128xf32, #tpu.memory_space<vmem>> -> memref<1x128x128xf32, #tpu.memory_space<vmem>>
    %dma_start3A_38 = tpu.memref_squeeze %dma_start3A_37 : memref<1x128x128xf32, #tpu.memory_space<vmem>> -> memref<128x128xf32, #tpu.memory_space<vmem>>
    %dma_start3A_39 = arith.constant 0 : i32
    %dma_start3A_40 = tpu.memref_slice %arg5[%dma_start3A_32, %dma_start3A_39] : memref<200x128xi32, #tpu.memory_space<vmem>> -> memref<1x128xi32, #tpu.memory_space<vmem>>
    %dma_start3A_41 = tpu.memref_squeeze %dma_start3A_40 : memref<1x128xi32, #tpu.memory_space<vmem>> -> memref<128xi32, #tpu.memory_space<vmem>>
    %dma_start3A_42 = arith.constant 0 : i32
    %dma_start3A_43 = arith.constant 0 : i32
    %dma_start3A_44 = tpu.memref_slice %arg2[%dma_start3A_42, %dma_start3A_43] : memref<1000000x128xf32, #tpu.memory_space<hbm>> -> memref<1000000x128xf32, #tpu.memory_space<hbm>>
    %dma_start3A_45 = tpu.memref_slice %arg7[%dma_start3A_34] : memref<5x!tpu.dma_semaphore, #tpu.memory_space<semaphore_mem>> -> memref<1x!tpu.dma_semaphore, #tpu.memory_space<semaphore_mem>>
    %dma_start3A_46 = tpu.memref_squeeze %dma_start3A_45 : memref<1x!tpu.dma_semaphore, #tpu.memory_space<semaphore_mem>> -> memref<!tpu.dma_semaphore, #tpu.memory_space<semaphore_mem>>
    tpu.enqueue_indirect_dma source(%dma_start3A_44 : memref<1000000x128xf32, #tpu.memory_space<hbm>>) target(%dma_start3A_38 : memref<128x128xf32, #tpu.memory_space<vmem>>) offsets(%dma_start3A_41 : memref<128xi32, #tpu.memory_space<vmem>>) semaphore(%dma_start3A_46 : memref<!tpu.dma_semaphore, #tpu.memory_space<semaphore_mem>>)
    %dma_wait3A = arith.constant 0 : i32
    %dma_wait3A_47 = arith.constant 0 : i32
    %dma_wait3A_48 = arith.constant 0 : i32
    %dma_wait3A_49 = arith.constant 0 : i32
    %dma_wait3A_50 = arith.constant 0 : i32
    %dma_wait3A_51 = tpu.memref_slice %arg6[%dma_wait3A_47, %dma_wait3A_49, %dma_wait3A_50] : memref<5x128x128xf32, #tpu.memory_space<vmem>> -> memref<1x128x128xf32, #tpu.memory_space<vmem>>
    %dma_wait3A_52 = tpu.memref_squeeze %dma_wait3A_51 : memref<1x128x128xf32, #tpu.memory_space<vmem>> -> memref<128x128xf32, #tpu.memory_space<vmem>>
    %dma_wait3A_53 = arith.constant 0 : i32
    %dma_wait3A_54 = tpu.memref_slice %arg5[%dma_wait3A, %dma_wait3A_53] : memref<200x128xi32, #tpu.memory_space<vmem>> -> memref<1x128xi32, #tpu.memory_space<vmem>>
    %dma_wait3A_55 = tpu.memref_squeeze %dma_wait3A_54 : memref<1x128xi32, #tpu.memory_space<vmem>> -> memref<128xi32, #tpu.memory_space<vmem>>
    %dma_wait3A_56 = arith.constant 0 : i32
    %dma_wait3A_57 = arith.constant 0 : i32
    %dma_wait3A_58 = tpu.memref_slice %arg2[%dma_wait3A_56, %dma_wait3A_57] : memref<1000000x128xf32, #tpu.memory_space<hbm>> -> memref<1000000x128xf32, #tpu.memory_space<hbm>>
    %dma_wait3A_59 = tpu.memref_slice %arg7[%dma_wait3A_48] : memref<5x!tpu.dma_semaphore, #tpu.memory_space<semaphore_mem>> -> memref<1x!tpu.dma_semaphore, #tpu.memory_space<semaphore_mem>>
    %dma_wait3A_60 = tpu.memref_squeeze %dma_wait3A_59 : memref<1x!tpu.dma_semaphore, #tpu.memory_space<semaphore_mem>> -> memref<!tpu.dma_semaphore, #tpu.memory_space<semaphore_mem>>
    tpu.wait_indirect_dma semaphore(%dma_wait3A_60 : memref<!tpu.dma_semaphore, #tpu.memory_space<semaphore_mem>>) src(%dma_wait3A_58 : memref<1000000x128xf32, #tpu.memory_space<hbm>>) dst(%dma_wait3A_52 : memref<128x128xf32, #tpu.memory_space<vmem>>)
    %add3A_61 = arith.constant 0 : i32
    %add3A_62 = arith.addi %mul3A_2, %add3A_61 : i32
    %dma_start3A_63 = arith.constant 0 : i32
    %dma_start3A_64 = arith.constant 0 : i32
    %dma_start3A_65 = arith.constant 0 : i32
    %dma_start3A_66 = arith.constant 0 : i32
    %dma_start3A_67 = tpu.memref_slice %arg6[%dma_start3A_63, %dma_start3A_65, %dma_start3A_66] : memref<5x128x128xf32, #tpu.memory_space<vmem>> -> memref<1x128x128xf32, #tpu.memory_space<vmem>>
    %dma_start3A_68 = tpu.memref_squeeze %dma_start3A_67 : memref<1x128x128xf32, #tpu.memory_space<vmem>> -> memref<128x128xf32, #tpu.memory_space<vmem>>
    %dma_start3A_69 = arith.constant 0 : i32
    %dma_start3A_70 = tpu.memref_slice %arg4[%add3A_62, %dma_start3A_69] : memref<819200x128xf32, #tpu.memory_space<hbm>> -> memref<128x128xf32, #tpu.memory_space<hbm>>
    %dma_start3A_71 = tpu.memref_slice %arg8[%dma_start3A_64] : memref<5x!tpu.dma_semaphore, #tpu.memory_space<semaphore_mem>> -> memref<1x!tpu.dma_semaphore, #tpu.memory_space<semaphore_mem>>
    %dma_start3A_72 = tpu.memref_squeeze %dma_start3A_71 : memref<1x!tpu.dma_semaphore, #tpu.memory_space<semaphore_mem>> -> memref<!tpu.dma_semaphore, #tpu.memory_space<semaphore_mem>>
    %dma_start3A_73 = arith.constant 0 : i32
    %dma_start3A_74 = tpu.memref_slice %arg4[%add3A_62, %dma_start3A_73] : memref<819200x128xf32, #tpu.memory_space<hbm>> -> memref<128x128xf32, #tpu.memory_space<hbm>>
    %dma_start3A_75 = arith.constant 0 : i32
    %dma_start3A_76 = arith.constant 0 : i32
    %dma_start3A_77 = tpu.memref_slice %arg6[%dma_start3A_63, %dma_start3A_75, %dma_start3A_76] : memref<5x128x128xf32, #tpu.memory_space<vmem>> -> memref<1x128x128xf32, #tpu.memory_space<vmem>>
    %dma_start3A_78 = tpu.memref_squeeze %dma_start3A_77 : memref<1x128x128xf32, #tpu.memory_space<vmem>> -> memref<128x128xf32, #tpu.memory_space<vmem>>
    tpu.enqueue_dma source(%dma_start3A_78 : memref<128x128xf32, #tpu.memory_space<vmem>>) target(%dma_start3A_74 : memref<128x128xf32, #tpu.memory_space<hbm>>) target_semaphore(%dma_start3A_72 : memref<!tpu.dma_semaphore, #tpu.memory_space<semaphore_mem>>)
    %dma_start3A_79 = arith.constant 3 : i32
    %dma_start3A_80 = arith.constant 3 : i32
    %dma_start3A_81 = arith.constant 3 : i32
    %dma_start3A_82 = arith.constant 0 : i32
    %dma_start3A_83 = arith.constant 0 : i32
    %dma_start3A_84 = tpu.memref_slice %arg6[%dma_start3A_80, %dma_start3A_82, %dma_start3A_83] : memref<5x128x128xf32, #tpu.memory_space<vmem>> -> memref<1x128x128xf32, #tpu.memory_space<vmem>>
    %dma_start3A_85 = tpu.memref_squeeze %dma_start3A_84 : memref<1x128x128xf32, #tpu.memory_space<vmem>> -> memref<128x128xf32, #tpu.memory_space<vmem>>
    %dma_start3A_86 = arith.constant 0 : i32
    %dma_start3A_87 = tpu.memref_slice %arg5[%dma_start3A_79, %dma_start3A_86] : memref<200x128xi32, #tpu.memory_space<vmem>> -> memref<1x128xi32, #tpu.memory_space<vmem>>
    %dma_start3A_88 = tpu.memref_squeeze %dma_start3A_87 : memref<1x128xi32, #tpu.memory_space<vmem>> -> memref<128xi32, #tpu.memory_space<vmem>>
    %dma_start3A_89 = arith.constant 0 : i32
    %dma_start3A_90 = arith.constant 0 : i32
    %dma_start3A_91 = tpu.memref_slice %arg2[%dma_start3A_89, %dma_start3A_90] : memref<1000000x128xf32, #tpu.memory_space<hbm>> -> memref<1000000x128xf32, #tpu.memory_space<hbm>>
    %dma_start3A_92 = tpu.memref_slice %arg7[%dma_start3A_81] : memref<5x!tpu.dma_semaphore, #tpu.memory_space<semaphore_mem>> -> memref<1x!tpu.dma_semaphore, #tpu.memory_space<semaphore_mem>>
    %dma_start3A_93 = tpu.memref_squeeze %dma_start3A_92 : memref<1x!tpu.dma_semaphore, #tpu.memory_space<semaphore_mem>> -> memref<!tpu.dma_semaphore, #tpu.memory_space<semaphore_mem>>
    tpu.enqueue_indirect_dma source(%dma_start3A_91 : memref<1000000x128xf32, #tpu.memory_space<hbm>>) target(%dma_start3A_85 : memref<128x128xf32, #tpu.memory_space<vmem>>) offsets(%dma_start3A_88 : memref<128xi32, #tpu.memory_space<vmem>>) semaphore(%dma_start3A_93 : memref<!tpu.dma_semaphore, #tpu.memory_space<semaphore_mem>>)
    %dma_wait3A_94 = arith.constant 0 : i32
    %dma_wait3A_95 = arith.constant 1 : i32
    %dma_wait3A_96 = arith.constant 1 : i32
    %dma_wait3A_97 = arith.constant 0 : i32
    %dma_wait3A_98 = arith.constant 0 : i32
    %dma_wait3A_99 = tpu.memref_slice %arg6[%dma_wait3A_95, %dma_wait3A_97, %dma_wait3A_98] : memref<5x128x128xf32, #tpu.memory_space<vmem>> -> memref<1x128x128xf32, #tpu.memory_space<vmem>>
    %dma_wait3A_100 = tpu.memref_squeeze %dma_wait3A_99 : memref<1x128x128xf32, #tpu.memory_space<vmem>> -> memref<128x128xf32, #tpu.memory_space<vmem>>
    %dma_wait3A_101 = arith.constant 0 : i32
    %dma_wait3A_102 = tpu.memref_slice %arg5[%dma_wait3A_94, %dma_wait3A_101] : memref<200x128xi32, #tpu.memory_space<vmem>> -> memref<1x128xi32, #tpu.memory_space<vmem>>
    %dma_wait3A_103 = tpu.memref_squeeze %dma_wait3A_102 : memref<1x128xi32, #tpu.memory_space<vmem>> -> memref<128xi32, #tpu.memory_space<vmem>>
    %dma_wait3A_104 = arith.constant 0 : i32
    %dma_wait3A_105 = arith.constant 0 : i32
    %dma_wait3A_106 = tpu.memref_slice %arg2[%dma_wait3A_104, %dma_wait3A_105] : memref<1000000x128xf32, #tpu.memory_space<hbm>> -> memref<1000000x128xf32, #tpu.memory_space<hbm>>
    %dma_wait3A_107 = tpu.memref_slice %arg7[%dma_wait3A_96] : memref<5x!tpu.dma_semaphore, #tpu.memory_space<semaphore_mem>> -> memref<1x!tpu.dma_semaphore, #tpu.memory_space<semaphore_mem>>
    %dma_wait3A_108 = tpu.memref_squeeze %dma_wait3A_107 : memref<1x!tpu.dma_semaphore, #tpu.memory_space<semaphore_mem>> -> memref<!tpu.dma_semaphore, #tpu.memory_space<semaphore_mem>>
    tpu.wait_indirect_dma semaphore(%dma_wait3A_108 : memref<!tpu.dma_semaphore, #tpu.memory_space<semaphore_mem>>) src(%dma_wait3A_106 : memref<1000000x128xf32, #tpu.memory_space<hbm>>) dst(%dma_wait3A_100 : memref<128x128xf32, #tpu.memory_space<vmem>>)
    %add3A_109 = arith.constant 128 : i32
    %add3A_110 = arith.addi %mul3A_2, %add3A_109 : i32
    %dma_start3A_111 = arith.constant 1 : i32
    %dma_start3A_112 = arith.constant 1 : i32
    %dma_start3A_113 = arith.constant 0 : i32
    %dma_start3A_114 = arith.constant 0 : i32
    %dma_start3A_115 = tpu.memref_slice %arg6[%dma_start3A_111, %dma_start3A_113, %dma_start3A_114] : memref<5x128x128xf32, #tpu.memory_space<vmem>> -> memref<1x128x128xf32, #tpu.memory_space<vmem>>
    %dma_start3A_116 = tpu.memref_squeeze %dma_start3A_115 : memref<1x128x128xf32, #tpu.memory_space<vmem>> -> memref<128x128xf32, #tpu.memory_space<vmem>>
    %dma_start3A_117 = arith.constant 0 : i32
    %dma_start3A_118 = tpu.memref_slice %arg4[%add3A_110, %dma_start3A_117] : memref<819200x128xf32, #tpu.memory_space<hbm>> -> memref<128x128xf32, #tpu.memory_space<hbm>>
    %dma_start3A_119 = tpu.memref_slice %arg8[%dma_start3A_112] : memref<5x!tpu.dma_semaphore, #tpu.memory_space<semaphore_mem>> -> memref<1x!tpu.dma_semaphore, #tpu.memory_space<semaphore_mem>>
    %dma_start3A_120 = tpu.memref_squeeze %dma_start3A_119 : memref<1x!tpu.dma_semaphore, #tpu.memory_space<semaphore_mem>> -> memref<!tpu.dma_semaphore, #tpu.memory_space<semaphore_mem>>
    %dma_start3A_121 = arith.constant 0 : i32
    %dma_start3A_122 = tpu.memref_slice %arg4[%add3A_110, %dma_start3A_121] : memref<819200x128xf32, #tpu.memory_space<hbm>> -> memref<128x128xf32, #tpu.memory_space<hbm>>
    %dma_start3A_123 = arith.constant 0 : i32
    %dma_start3A_124 = arith.constant 0 : i32
    %dma_start3A_125 = tpu.memref_slice %arg6[%dma_start3A_111, %dma_start3A_123, %dma_start3A_124] : memref<5x128x128xf32, #tpu.memory_space<vmem>> -> memref<1x128x128xf32, #tpu.memory_space<vmem>>
    %dma_start3A_126 = tpu.memref_squeeze %dma_start3A_125 : memref<1x128x128xf32, #tpu.memory_space<vmem>> -> memref<128x128xf32, #tpu.memory_space<vmem>>
    tpu.enqueue_dma source(%dma_start3A_126 : memref<128x128xf32, #tpu.memory_space<vmem>>) target(%dma_start3A_122 : memref<128x128xf32, #tpu.memory_space<hbm>>) target_semaphore(%dma_start3A_120 : memref<!tpu.dma_semaphore, #tpu.memory_space<semaphore_mem>>)
    %dma_start3A_127 = arith.constant 4 : i32
    %dma_start3A_128 = arith.constant 4 : i32
    %dma_start3A_129 = arith.constant 4 : i32
    %dma_start3A_130 = arith.constant 0 : i32
    %dma_start3A_131 = arith.constant 0 : i32
    %dma_start3A_132 = tpu.memref_slice %arg6[%dma_start3A_128, %dma_start3A_130, %dma_start3A_131] : memref<5x128x128xf32, #tpu.memory_space<vmem>> -> memref<1x128x128xf32, #tpu.memory_space<vmem>>
    %dma_start3A_133 = tpu.memref_squeeze %dma_start3A_132 : memref<1x128x128xf32, #tpu.memory_space<vmem>> -> memref<128x128xf32, #tpu.memory_space<vmem>>
    %dma_start3A_134 = arith.constant 0 : i32
    %dma_start3A_135 = tpu.memref_slice %arg5[%dma_start3A_127, %dma_start3A_134] : memref<200x128xi32, #tpu.memory_space<vmem>> -> memref<1x128xi32, #tpu.memory_space<vmem>>
    %dma_start3A_136 = tpu.memref_squeeze %dma_start3A_135 : memref<1x128xi32, #tpu.memory_space<vmem>> -> memref<128xi32, #tpu.memory_space<vmem>>
    %dma_start3A_137 = arith.constant 0 : i32
    %dma_start3A_138 = arith.constant 0 : i32
    %dma_start3A_139 = tpu.memref_slice %arg2[%dma_start3A_137, %dma_start3A_138] : memref<1000000x128xf32, #tpu.memory_space<hbm>> -> memref<1000000x128xf32, #tpu.memory_space<hbm>>
    %dma_start3A_140 = tpu.memref_slice %arg7[%dma_start3A_129] : memref<5x!tpu.dma_semaphore, #tpu.memory_space<semaphore_mem>> -> memref<1x!tpu.dma_semaphore, #tpu.memory_space<semaphore_mem>>
    %dma_start3A_141 = tpu.memref_squeeze %dma_start3A_140 : memref<1x!tpu.dma_semaphore, #tpu.memory_space<semaphore_mem>> -> memref<!tpu.dma_semaphore, #tpu.memory_space<semaphore_mem>>
    tpu.enqueue_indirect_dma source(%dma_start3A_139 : memref<1000000x128xf32, #tpu.memory_space<hbm>>) target(%dma_start3A_133 : memref<128x128xf32, #tpu.memory_space<vmem>>) offsets(%dma_start3A_136 : memref<128xi32, #tpu.memory_space<vmem>>) semaphore(%dma_start3A_141 : memref<!tpu.dma_semaphore, #tpu.memory_space<semaphore_mem>>)
    %dma_wait3A_142 = arith.constant 0 : i32
    %dma_wait3A_143 = arith.constant 2 : i32
    %dma_wait3A_144 = arith.constant 2 : i32
    %dma_wait3A_145 = arith.constant 0 : i32
    %dma_wait3A_146 = arith.constant 0 : i32
    %dma_wait3A_147 = tpu.memref_slice %arg6[%dma_wait3A_143, %dma_wait3A_145, %dma_wait3A_146] : memref<5x128x128xf32, #tpu.memory_space<vmem>> -> memref<1x128x128xf32, #tpu.memory_space<vmem>>
    %dma_wait3A_148 = tpu.memref_squeeze %dma_wait3A_147 : memref<1x128x128xf32, #tpu.memory_space<vmem>> -> memref<128x128xf32, #tpu.memory_space<vmem>>
    %dma_wait3A_149 = arith.constant 0 : i32
    %dma_wait3A_150 = tpu.memref_slice %arg5[%dma_wait3A_142, %dma_wait3A_149] : memref<200x128xi32, #tpu.memory_space<vmem>> -> memref<1x128xi32, #tpu.memory_space<vmem>>
    %dma_wait3A_151 = tpu.memref_squeeze %dma_wait3A_150 : memref<1x128xi32, #tpu.memory_space<vmem>> -> memref<128xi32, #tpu.memory_space<vmem>>
    %dma_wait3A_152 = arith.constant 0 : i32
    %dma_wait3A_153 = arith.constant 0 : i32
    %dma_wait3A_154 = tpu.memref_slice %arg2[%dma_wait3A_152, %dma_wait3A_153] : memref<1000000x128xf32, #tpu.memory_space<hbm>> -> memref<1000000x128xf32, #tpu.memory_space<hbm>>
    %dma_wait3A_155 = tpu.memref_slice %arg7[%dma_wait3A_144] : memref<5x!tpu.dma_semaphore, #tpu.memory_space<semaphore_mem>> -> memref<1x!tpu.dma_semaphore, #tpu.memory_space<semaphore_mem>>
    %dma_wait3A_156 = tpu.memref_squeeze %dma_wait3A_155 : memref<1x!tpu.dma_semaphore, #tpu.memory_space<semaphore_mem>> -> memref<!tpu.dma_semaphore, #tpu.memory_space<semaphore_mem>>
    tpu.wait_indirect_dma semaphore(%dma_wait3A_156 : memref<!tpu.dma_semaphore, #tpu.memory_space<semaphore_mem>>) src(%dma_wait3A_154 : memref<1000000x128xf32, #tpu.memory_space<hbm>>) dst(%dma_wait3A_148 : memref<128x128xf32, #tpu.memory_space<vmem>>)
    %add3A_157 = arith.constant 256 : i32
    %add3A_158 = arith.addi %mul3A_2, %add3A_157 : i32
    %dma_start3A_159 = arith.constant 2 : i32
    %dma_start3A_160 = arith.constant 2 : i32
    %dma_start3A_161 = arith.constant 0 : i32
    %dma_start3A_162 = arith.constant 0 : i32
    %dma_start3A_163 = tpu.memref_slice %arg6[%dma_start3A_159, %dma_start3A_161, %dma_start3A_162] : memref<5x128x128xf32, #tpu.memory_space<vmem>> -> memref<1x128x128xf32, #tpu.memory_space<vmem>>
    %dma_start3A_164 = tpu.memref_squeeze %dma_start3A_163 : memref<1x128x128xf32, #tpu.memory_space<vmem>> -> memref<128x128xf32, #tpu.memory_space<vmem>>
    %dma_start3A_165 = arith.constant 0 : i32
    %dma_start3A_166 = tpu.memref_slice %arg4[%add3A_158, %dma_start3A_165] : memref<819200x128xf32, #tpu.memory_space<hbm>> -> memref<128x128xf32, #tpu.memory_space<hbm>>
    %dma_start3A_167 = tpu.memref_slice %arg8[%dma_start3A_160] : memref<5x!tpu.dma_semaphore, #tpu.memory_space<semaphore_mem>> -> memref<1x!tpu.dma_semaphore, #tpu.memory_space<semaphore_mem>>
    %dma_start3A_168 = tpu.memref_squeeze %dma_start3A_167 : memref<1x!tpu.dma_semaphore, #tpu.memory_space<semaphore_mem>> -> memref<!tpu.dma_semaphore, #tpu.memory_space<semaphore_mem>>
    %dma_start3A_169 = arith.constant 0 : i32
    %dma_start3A_170 = tpu.memref_slice %arg4[%add3A_158, %dma_start3A_169] : memref<819200x128xf32, #tpu.memory_space<hbm>> -> memref<128x128xf32, #tpu.memory_space<hbm>>
    %dma_start3A_171 = arith.constant 0 : i32
    %dma_start3A_172 = arith.constant 0 : i32
    %dma_start3A_173 = tpu.memref_slice %arg6[%dma_start3A_159, %dma_start3A_171, %dma_start3A_172] : memref<5x128x128xf32, #tpu.memory_space<vmem>> -> memref<1x128x128xf32, #tpu.memory_space<vmem>>
    %dma_start3A_174 = tpu.memref_squeeze %dma_start3A_173 : memref<1x128x128xf32, #tpu.memory_space<vmem>> -> memref<128x128xf32, #tpu.memory_space<vmem>>
    tpu.enqueue_dma source(%dma_start3A_174 : memref<128x128xf32, #tpu.memory_space<vmem>>) target(%dma_start3A_170 : memref<128x128xf32, #tpu.memory_space<hbm>>) target_semaphore(%dma_start3A_168 : memref<!tpu.dma_semaphore, #tpu.memory_space<semaphore_mem>>)
    %scan3A = arith.constant 0 : i32
    %scan3A_175 = arith.constant 39 : i32
    %scan3A_176 = arith.addi %scan3A, %scan3A_175 : i32
    %scan3A_177 = arith.constant 1 : i32
    scf.for %scan3A_325 = %scan3A to %scan3A_176 step %scan3A_177  : i32 {
      %mul3A_326 = arith.constant 1 : i32
      %mul3A_327 = arith.muli %scan3A_325, %mul3A_326 : i32
      %add3A_328 = arith.constant 1 : i32
      %add3A_329 = arith.addi %add3A_328, %mul3A_327 : i32
      %mul3A_330 = arith.constant 5 : i32
      %mul3A_331 = arith.muli %add3A_329, %mul3A_330 : i32
      %add3A_332 = arith.constant 0 : i32
      %add3A_333 = arith.addi %mul3A_331, %add3A_332 : i32
      %dma_wait3A_334 = arith.constant 0 : i32
      %dma_wait3A_335 = arith.constant 0 : i32
      %dma_wait3A_336 = arith.constant 0 : i32
      %dma_wait3A_337 = arith.constant 0 : i32
      %dma_wait3A_338 = tpu.memref_slice %arg6[%dma_wait3A_334, %dma_wait3A_336, %dma_wait3A_337] : memref<5x128x128xf32, #tpu.memory_space<vmem>> -> memref<1x128x128xf32, #tpu.memory_space<vmem>>
      %dma_wait3A_339 = tpu.memref_squeeze %dma_wait3A_338 : memref<1x128x128xf32, #tpu.memory_space<vmem>> -> memref<128x128xf32, #tpu.memory_space<vmem>>
      %dma_wait3A_340 = arith.constant 0 : i32
      %dma_wait3A_341 = tpu.memref_slice %arg4[%mul3A_2, %dma_wait3A_340] : memref<819200x128xf32, #tpu.memory_space<hbm>> -> memref<128x128xf32, #tpu.memory_space<hbm>>
      %dma_wait3A_342 = tpu.memref_slice %arg8[%dma_wait3A_335] : memref<5x!tpu.dma_semaphore, #tpu.memory_space<semaphore_mem>> -> memref<1x!tpu.dma_semaphore, #tpu.memory_space<semaphore_mem>>
      %dma_wait3A_343 = tpu.memref_squeeze %dma_wait3A_342 : memref<1x!tpu.dma_semaphore, #tpu.memory_space<semaphore_mem>> -> memref<!tpu.dma_semaphore, #tpu.memory_space<semaphore_mem>>
      %dma_wait3A_344 = arith.constant 0 : i32
      %dma_wait3A_345 = tpu.memref_slice %arg4[%mul3A_2, %dma_wait3A_344] : memref<819200x128xf32, #tpu.memory_space<hbm>> -> memref<128x128xf32, #tpu.memory_space<hbm>>
      %dma_wait3A_346 = arith.constant 0 : i32
      %dma_wait3A_347 = arith.constant 0 : i32
      %dma_wait3A_348 = tpu.memref_slice %arg6[%dma_wait3A_334, %dma_wait3A_346, %dma_wait3A_347] : memref<5x128x128xf32, #tpu.memory_space<vmem>> -> memref<1x128x128xf32, #tpu.memory_space<vmem>>
      %dma_wait3A_349 = tpu.memref_squeeze %dma_wait3A_348 : memref<1x128x128xf32, #tpu.memory_space<vmem>> -> memref<128x128xf32, #tpu.memory_space<vmem>>
      tpu.wait_dma2 semaphore(%dma_wait3A_343 : memref<!tpu.dma_semaphore, #tpu.memory_space<semaphore_mem>>) src(%dma_wait3A_349 : memref<128x128xf32, #tpu.memory_space<vmem>>) dst(%dma_wait3A_345 : memref<128x128xf32, #tpu.memory_space<hbm>>)
      %dma_start3A_350 = arith.constant 0 : i32
      %dma_start3A_351 = arith.constant 0 : i32
      %dma_start3A_352 = arith.constant 0 : i32
      %dma_start3A_353 = arith.constant 0 : i32
      %dma_start3A_354 = tpu.memref_slice %arg6[%dma_start3A_350, %dma_start3A_352, %dma_start3A_353] : memref<5x128x128xf32, #tpu.memory_space<vmem>> -> memref<1x128x128xf32, #tpu.memory_space<vmem>>
      %dma_start3A_355 = tpu.memref_squeeze %dma_start3A_354 : memref<1x128x128xf32, #tpu.memory_space<vmem>> -> memref<128x128xf32, #tpu.memory_space<vmem>>
      %dma_start3A_356 = arith.constant 0 : i32
      %dma_start3A_357 = tpu.memref_slice %arg5[%add3A_333, %dma_start3A_356] : memref<200x128xi32, #tpu.memory_space<vmem>> -> memref<1x128xi32, #tpu.memory_space<vmem>>
      %dma_start3A_358 = tpu.memref_squeeze %dma_start3A_357 : memref<1x128xi32, #tpu.memory_space<vmem>> -> memref<128xi32, #tpu.memory_space<vmem>>
      %dma_start3A_359 = arith.constant 0 : i32
      %dma_start3A_360 = arith.constant 0 : i32
      %dma_start3A_361 = tpu.memref_slice %arg2[%dma_start3A_359, %dma_start3A_360] : memref<1000000x128xf32, #tpu.memory_space<hbm>> -> memref<1000000x128xf32, #tpu.memory_space<hbm>>
      %dma_start3A_362 = tpu.memref_slice %arg7[%dma_start3A_351] : memref<5x!tpu.dma_semaphore, #tpu.memory_space<semaphore_mem>> -> memref<1x!tpu.dma_semaphore, #tpu.memory_space<semaphore_mem>>
      %dma_start3A_363 = tpu.memref_squeeze %dma_start3A_362 : memref<1x!tpu.dma_semaphore, #tpu.memory_space<semaphore_mem>> -> memref<!tpu.dma_semaphore, #tpu.memory_space<semaphore_mem>>
      tpu.enqueue_indirect_dma source(%dma_start3A_361 : memref<1000000x128xf32, #tpu.memory_space<hbm>>) target(%dma_start3A_355 : memref<128x128xf32, #tpu.memory_space<vmem>>) offsets(%dma_start3A_358 : memref<128xi32, #tpu.memory_space<vmem>>) semaphore(%dma_start3A_363 : memref<!tpu.dma_semaphore, #tpu.memory_space<semaphore_mem>>)
      %dma_wait3A_364 = arith.constant 0 : i32
      %dma_wait3A_365 = arith.constant 3 : i32
      %dma_wait3A_366 = arith.constant 3 : i32
      %dma_wait3A_367 = arith.constant 0 : i32
      %dma_wait3A_368 = arith.constant 0 : i32
      %dma_wait3A_369 = tpu.memref_slice %arg6[%dma_wait3A_365, %dma_wait3A_367, %dma_wait3A_368] : memref<5x128x128xf32, #tpu.memory_space<vmem>> -> memref<1x128x128xf32, #tpu.memory_space<vmem>>
      %dma_wait3A_370 = tpu.memref_squeeze %dma_wait3A_369 : memref<1x128x128xf32, #tpu.memory_space<vmem>> -> memref<128x128xf32, #tpu.memory_space<vmem>>
      %dma_wait3A_371 = arith.constant 0 : i32
      %dma_wait3A_372 = tpu.memref_slice %arg5[%dma_wait3A_364, %dma_wait3A_371] : memref<200x128xi32, #tpu.memory_space<vmem>> -> memref<1x128xi32, #tpu.memory_space<vmem>>
      %dma_wait3A_373 = tpu.memref_squeeze %dma_wait3A_372 : memref<1x128xi32, #tpu.memory_space<vmem>> -> memref<128xi32, #tpu.memory_space<vmem>>
      %dma_wait3A_374 = arith.constant 0 : i32
      %dma_wait3A_375 = arith.constant 0 : i32
      %dma_wait3A_376 = tpu.memref_slice %arg2[%dma_wait3A_374, %dma_wait3A_375] : memref<1000000x128xf32, #tpu.memory_space<hbm>> -> memref<1000000x128xf32, #tpu.memory_space<hbm>>
      %dma_wait3A_377 = tpu.memref_slice %arg7[%dma_wait3A_366] : memref<5x!tpu.dma_semaphore, #tpu.memory_space<semaphore_mem>> -> memref<1x!tpu.dma_semaphore, #tpu.memory_space<semaphore_mem>>
      %dma_wait3A_378 = tpu.memref_squeeze %dma_wait3A_377 : memref<1x!tpu.dma_semaphore, #tpu.memory_space<semaphore_mem>> -> memref<!tpu.dma_semaphore, #tpu.memory_space<semaphore_mem>>
      tpu.wait_indirect_dma semaphore(%dma_wait3A_378 : memref<!tpu.dma_semaphore, #tpu.memory_space<semaphore_mem>>) src(%dma_wait3A_376 : memref<1000000x128xf32, #tpu.memory_space<hbm>>) dst(%dma_wait3A_370 : memref<128x128xf32, #tpu.memory_space<vmem>>)
      %sub3A = arith.constant 2 : i32
      %sub3A_379 = arith.subi %add3A_333, %sub3A : i32
      %mul3A_380 = arith.constant 128 : i32
      %mul3A_381 = arith.muli %sub3A_379, %mul3A_380 : i32
      %add3A_382 = arith.addi %mul3A_2, %mul3A_381 : i32
      %dma_start3A_383 = arith.constant 3 : i32
      %dma_start3A_384 = arith.constant 3 : i32
      %dma_start3A_385 = arith.constant 0 : i32
      %dma_start3A_386 = arith.constant 0 : i32
      %dma_start3A_387 = tpu.memref_slice %arg6[%dma_start3A_383, %dma_start3A_385, %dma_start3A_386] : memref<5x128x128xf32, #tpu.memory_space<vmem>> -> memref<1x128x128xf32, #tpu.memory_space<vmem>>
      %dma_start3A_388 = tpu.memref_squeeze %dma_start3A_387 : memref<1x128x128xf32, #tpu.memory_space<vmem>> -> memref<128x128xf32, #tpu.memory_space<vmem>>
      %dma_start3A_389 = arith.constant 0 : i32
      %dma_start3A_390 = tpu.memref_slice %arg4[%add3A_382, %dma_start3A_389] : memref<819200x128xf32, #tpu.memory_space<hbm>> -> memref<128x128xf32, #tpu.memory_space<hbm>>
      %dma_start3A_391 = tpu.memref_slice %arg8[%dma_start3A_384] : memref<5x!tpu.dma_semaphore, #tpu.memory_space<semaphore_mem>> -> memref<1x!tpu.dma_semaphore, #tpu.memory_space<semaphore_mem>>
      %dma_start3A_392 = tpu.memref_squeeze %dma_start3A_391 : memref<1x!tpu.dma_semaphore, #tpu.memory_space<semaphore_mem>> -> memref<!tpu.dma_semaphore, #tpu.memory_space<semaphore_mem>>
      %dma_start3A_393 = arith.constant 0 : i32
      %dma_start3A_394 = tpu.memref_slice %arg4[%add3A_382, %dma_start3A_393] : memref<819200x128xf32, #tpu.memory_space<hbm>> -> memref<128x128xf32, #tpu.memory_space<hbm>>
      %dma_start3A_395 = arith.constant 0 : i32
      %dma_start3A_396 = arith.constant 0 : i32
      %dma_start3A_397 = tpu.memref_slice %arg6[%dma_start3A_383, %dma_start3A_395, %dma_start3A_396] : memref<5x128x128xf32, #tpu.memory_space<vmem>> -> memref<1x128x128xf32, #tpu.memory_space<vmem>>
      %dma_start3A_398 = tpu.memref_squeeze %dma_start3A_397 : memref<1x128x128xf32, #tpu.memory_space<vmem>> -> memref<128x128xf32, #tpu.memory_space<vmem>>
      tpu.enqueue_dma source(%dma_start3A_398 : memref<128x128xf32, #tpu.memory_space<vmem>>) target(%dma_start3A_394 : memref<128x128xf32, #tpu.memory_space<hbm>>) target_semaphore(%dma_start3A_392 : memref<!tpu.dma_semaphore, #tpu.memory_space<semaphore_mem>>)
      %mul3A_399 = arith.constant 5 : i32
      %mul3A_400 = arith.muli %add3A_329, %mul3A_399 : i32
      %add3A_401 = arith.constant 1 : i32
      %add3A_402 = arith.addi %mul3A_400, %add3A_401 : i32
      %dma_wait3A_403 = arith.constant 1 : i32
      %dma_wait3A_404 = arith.constant 1 : i32
      %dma_wait3A_405 = arith.constant 0 : i32
      %dma_wait3A_406 = arith.constant 0 : i32
      %dma_wait3A_407 = tpu.memref_slice %arg6[%dma_wait3A_403, %dma_wait3A_405, %dma_wait3A_406] : memref<5x128x128xf32, #tpu.memory_space<vmem>> -> memref<1x128x128xf32, #tpu.memory_space<vmem>>
      %dma_wait3A_408 = tpu.memref_squeeze %dma_wait3A_407 : memref<1x128x128xf32, #tpu.memory_space<vmem>> -> memref<128x128xf32, #tpu.memory_space<vmem>>
      %dma_wait3A_409 = arith.constant 0 : i32
      %dma_wait3A_410 = tpu.memref_slice %arg4[%mul3A_2, %dma_wait3A_409] : memref<819200x128xf32, #tpu.memory_space<hbm>> -> memref<128x128xf32, #tpu.memory_space<hbm>>
      %dma_wait3A_411 = tpu.memref_slice %arg8[%dma_wait3A_404] : memref<5x!tpu.dma_semaphore, #tpu.memory_space<semaphore_mem>> -> memref<1x!tpu.dma_semaphore, #tpu.memory_space<semaphore_mem>>
      %dma_wait3A_412 = tpu.memref_squeeze %dma_wait3A_411 : memref<1x!tpu.dma_semaphore, #tpu.memory_space<semaphore_mem>> -> memref<!tpu.dma_semaphore, #tpu.memory_space<semaphore_mem>>
      %dma_wait3A_413 = arith.constant 0 : i32
      %dma_wait3A_414 = tpu.memref_slice %arg4[%mul3A_2, %dma_wait3A_413] : memref<819200x128xf32, #tpu.memory_space<hbm>> -> memref<128x128xf32, #tpu.memory_space<hbm>>
      %dma_wait3A_415 = arith.constant 0 : i32
      %dma_wait3A_416 = arith.constant 0 : i32
      %dma_wait3A_417 = tpu.memref_slice %arg6[%dma_wait3A_403, %dma_wait3A_415, %dma_wait3A_416] : memref<5x128x128xf32, #tpu.memory_space<vmem>> -> memref<1x128x128xf32, #tpu.memory_space<vmem>>
      %dma_wait3A_418 = tpu.memref_squeeze %dma_wait3A_417 : memref<1x128x128xf32, #tpu.memory_space<vmem>> -> memref<128x128xf32, #tpu.memory_space<vmem>>
      tpu.wait_dma2 semaphore(%dma_wait3A_412 : memref<!tpu.dma_semaphore, #tpu.memory_space<semaphore_mem>>) src(%dma_wait3A_418 : memref<128x128xf32, #tpu.memory_space<vmem>>) dst(%dma_wait3A_414 : memref<128x128xf32, #tpu.memory_space<hbm>>)
      %dma_start3A_419 = arith.constant 1 : i32
      %dma_start3A_420 = arith.constant 1 : i32
      %dma_start3A_421 = arith.constant 0 : i32
      %dma_start3A_422 = arith.constant 0 : i32
      %dma_start3A_423 = tpu.memref_slice %arg6[%dma_start3A_419, %dma_start3A_421, %dma_start3A_422] : memref<5x128x128xf32, #tpu.memory_space<vmem>> -> memref<1x128x128xf32, #tpu.memory_space<vmem>>
      %dma_start3A_424 = tpu.memref_squeeze %dma_start3A_423 : memref<1x128x128xf32, #tpu.memory_space<vmem>> -> memref<128x128xf32, #tpu.memory_space<vmem>>
      %dma_start3A_425 = arith.constant 0 : i32
      %dma_start3A_426 = tpu.memref_slice %arg5[%add3A_402, %dma_start3A_425] : memref<200x128xi32, #tpu.memory_space<vmem>> -> memref<1x128xi32, #tpu.memory_space<vmem>>
      %dma_start3A_427 = tpu.memref_squeeze %dma_start3A_426 : memref<1x128xi32, #tpu.memory_space<vmem>> -> memref<128xi32, #tpu.memory_space<vmem>>
      %dma_start3A_428 = arith.constant 0 : i32
      %dma_start3A_429 = arith.constant 0 : i32
      %dma_start3A_430 = tpu.memref_slice %arg2[%dma_start3A_428, %dma_start3A_429] : memref<1000000x128xf32, #tpu.memory_space<hbm>> -> memref<1000000x128xf32, #tpu.memory_space<hbm>>
      %dma_start3A_431 = tpu.memref_slice %arg7[%dma_start3A_420] : memref<5x!tpu.dma_semaphore, #tpu.memory_space<semaphore_mem>> -> memref<1x!tpu.dma_semaphore, #tpu.memory_space<semaphore_mem>>
      %dma_start3A_432 = tpu.memref_squeeze %dma_start3A_431 : memref<1x!tpu.dma_semaphore, #tpu.memory_space<semaphore_mem>> -> memref<!tpu.dma_semaphore, #tpu.memory_space<semaphore_mem>>
      tpu.enqueue_indirect_dma source(%dma_start3A_430 : memref<1000000x128xf32, #tpu.memory_space<hbm>>) target(%dma_start3A_424 : memref<128x128xf32, #tpu.memory_space<vmem>>) offsets(%dma_start3A_427 : memref<128xi32, #tpu.memory_space<vmem>>) semaphore(%dma_start3A_432 : memref<!tpu.dma_semaphore, #tpu.memory_space<semaphore_mem>>)
      %dma_wait3A_433 = arith.constant 0 : i32
      %dma_wait3A_434 = arith.constant 4 : i32
      %dma_wait3A_435 = arith.constant 4 : i32
      %dma_wait3A_436 = arith.constant 0 : i32
      %dma_wait3A_437 = arith.constant 0 : i32
      %dma_wait3A_438 = tpu.memref_slice %arg6[%dma_wait3A_434, %dma_wait3A_436, %dma_wait3A_437] : memref<5x128x128xf32, #tpu.memory_space<vmem>> -> memref<1x128x128xf32, #tpu.memory_space<vmem>>
      %dma_wait3A_439 = tpu.memref_squeeze %dma_wait3A_438 : memref<1x128x128xf32, #tpu.memory_space<vmem>> -> memref<128x128xf32, #tpu.memory_space<vmem>>
      %dma_wait3A_440 = arith.constant 0 : i32
      %dma_wait3A_441 = tpu.memref_slice %arg5[%dma_wait3A_433, %dma_wait3A_440] : memref<200x128xi32, #tpu.memory_space<vmem>> -> memref<1x128xi32, #tpu.memory_space<vmem>>
      %dma_wait3A_442 = tpu.memref_squeeze %dma_wait3A_441 : memref<1x128xi32, #tpu.memory_space<vmem>> -> memref<128xi32, #tpu.memory_space<vmem>>
      %dma_wait3A_443 = arith.constant 0 : i32
      %dma_wait3A_444 = arith.constant 0 : i32
      %dma_wait3A_445 = tpu.memref_slice %arg2[%dma_wait3A_443, %dma_wait3A_444] : memref<1000000x128xf32, #tpu.memory_space<hbm>> -> memref<1000000x128xf32, #tpu.memory_space<hbm>>
      %dma_wait3A_446 = tpu.memref_slice %arg7[%dma_wait3A_435] : memref<5x!tpu.dma_semaphore, #tpu.memory_space<semaphore_mem>> -> memref<1x!tpu.dma_semaphore, #tpu.memory_space<semaphore_mem>>
      %dma_wait3A_447 = tpu.memref_squeeze %dma_wait3A_446 : memref<1x!tpu.dma_semaphore, #tpu.memory_space<semaphore_mem>> -> memref<!tpu.dma_semaphore, #tpu.memory_space<semaphore_mem>>
      tpu.wait_indirect_dma semaphore(%dma_wait3A_447 : memref<!tpu.dma_semaphore, #tpu.memory_space<semaphore_mem>>) src(%dma_wait3A_445 : memref<1000000x128xf32, #tpu.memory_space<hbm>>) dst(%dma_wait3A_439 : memref<128x128xf32, #tpu.memory_space<vmem>>)
      %sub3A_448 = arith.constant 2 : i32
      %sub3A_449 = arith.subi %add3A_402, %sub3A_448 : i32
      %mul3A_450 = arith.constant 128 : i32
      %mul3A_451 = arith.muli %sub3A_449, %mul3A_450 : i32
      %add3A_452 = arith.addi %mul3A_2, %mul3A_451 : i32
      %dma_start3A_453 = arith.constant 4 : i32
      %dma_start3A_454 = arith.constant 4 : i32
      %dma_start3A_455 = arith.constant 0 : i32
      %dma_start3A_456 = arith.constant 0 : i32
      %dma_start3A_457 = tpu.memref_slice %arg6[%dma_start3A_453, %dma_start3A_455, %dma_start3A_456] : memref<5x128x128xf32, #tpu.memory_space<vmem>> -> memref<1x128x128xf32, #tpu.memory_space<vmem>>
      %dma_start3A_458 = tpu.memref_squeeze %dma_start3A_457 : memref<1x128x128xf32, #tpu.memory_space<vmem>> -> memref<128x128xf32, #tpu.memory_space<vmem>>
      %dma_start3A_459 = arith.constant 0 : i32
      %dma_start3A_460 = tpu.memref_slice %arg4[%add3A_452, %dma_start3A_459] : memref<819200x128xf32, #tpu.memory_space<hbm>> -> memref<128x128xf32, #tpu.memory_space<hbm>>
      %dma_start3A_461 = tpu.memref_slice %arg8[%dma_start3A_454] : memref<5x!tpu.dma_semaphore, #tpu.memory_space<semaphore_mem>> -> memref<1x!tpu.dma_semaphore, #tpu.memory_space<semaphore_mem>>
      %dma_start3A_462 = tpu.memref_squeeze %dma_start3A_461 : memref<1x!tpu.dma_semaphore, #tpu.memory_space<semaphore_mem>> -> memref<!tpu.dma_semaphore, #tpu.memory_space<semaphore_mem>>
      %dma_start3A_463 = arith.constant 0 : i32
      %dma_start3A_464 = tpu.memref_slice %arg4[%add3A_452, %dma_start3A_463] : memref<819200x128xf32, #tpu.memory_space<hbm>> -> memref<128x128xf32, #tpu.memory_space<hbm>>
      %dma_start3A_465 = arith.constant 0 : i32
      %dma_start3A_466 = arith.constant 0 : i32
      %dma_start3A_467 = tpu.memref_slice %arg6[%dma_start3A_453, %dma_start3A_465, %dma_start3A_466] : memref<5x128x128xf32, #tpu.memory_space<vmem>> -> memref<1x128x128xf32, #tpu.memory_space<vmem>>
      %dma_start3A_468 = tpu.memref_squeeze %dma_start3A_467 : memref<1x128x128xf32, #tpu.memory_space<vmem>> -> memref<128x128xf32, #tpu.memory_space<vmem>>
      tpu.enqueue_dma source(%dma_start3A_468 : memref<128x128xf32, #tpu.memory_space<vmem>>) target(%dma_start3A_464 : memref<128x128xf32, #tpu.memory_space<hbm>>) target_semaphore(%dma_start3A_462 : memref<!tpu.dma_semaphore, #tpu.memory_space<semaphore_mem>>)
      %mul3A_469 = arith.constant 5 : i32
      %mul3A_470 = arith.muli %add3A_329, %mul3A_469 : i32
      %add3A_471 = arith.constant 2 : i32
      %add3A_472 = arith.addi %mul3A_470, %add3A_471 : i32
      %dma_wait3A_473 = arith.constant 2 : i32
      %dma_wait3A_474 = arith.constant 2 : i32
      %dma_wait3A_475 = arith.constant 0 : i32
      %dma_wait3A_476 = arith.constant 0 : i32
      %dma_wait3A_477 = tpu.memref_slice %arg6[%dma_wait3A_473, %dma_wait3A_475, %dma_wait3A_476] : memref<5x128x128xf32, #tpu.memory_space<vmem>> -> memref<1x128x128xf32, #tpu.memory_space<vmem>>
      %dma_wait3A_478 = tpu.memref_squeeze %dma_wait3A_477 : memref<1x128x128xf32, #tpu.memory_space<vmem>> -> memref<128x128xf32, #tpu.memory_space<vmem>>
      %dma_wait3A_479 = arith.constant 0 : i32
      %dma_wait3A_480 = tpu.memref_slice %arg4[%mul3A_2, %dma_wait3A_479] : memref<819200x128xf32, #tpu.memory_space<hbm>> -> memref<128x128xf32, #tpu.memory_space<hbm>>
      %dma_wait3A_481 = tpu.memref_slice %arg8[%dma_wait3A_474] : memref<5x!tpu.dma_semaphore, #tpu.memory_space<semaphore_mem>> -> memref<1x!tpu.dma_semaphore, #tpu.memory_space<semaphore_mem>>
      %dma_wait3A_482 = tpu.memref_squeeze %dma_wait3A_481 : memref<1x!tpu.dma_semaphore, #tpu.memory_space<semaphore_mem>> -> memref<!tpu.dma_semaphore, #tpu.memory_space<semaphore_mem>>
      %dma_wait3A_483 = arith.constant 0 : i32
      %dma_wait3A_484 = tpu.memref_slice %arg4[%mul3A_2, %dma_wait3A_483] : memref<819200x128xf32, #tpu.memory_space<hbm>> -> memref<128x128xf32, #tpu.memory_space<hbm>>
      %dma_wait3A_485 = arith.constant 0 : i32
      %dma_wait3A_486 = arith.constant 0 : i32
      %dma_wait3A_487 = tpu.memref_slice %arg6[%dma_wait3A_473, %dma_wait3A_485, %dma_wait3A_486] : memref<5x128x128xf32, #tpu.memory_space<vmem>> -> memref<1x128x128xf32, #tpu.memory_space<vmem>>
      %dma_wait3A_488 = tpu.memref_squeeze %dma_wait3A_487 : memref<1x128x128xf32, #tpu.memory_space<vmem>> -> memref<128x128xf32, #tpu.memory_space<vmem>>
      tpu.wait_dma2 semaphore(%dma_wait3A_482 : memref<!tpu.dma_semaphore, #tpu.memory_space<semaphore_mem>>) src(%dma_wait3A_488 : memref<128x128xf32, #tpu.memory_space<vmem>>) dst(%dma_wait3A_484 : memref<128x128xf32, #tpu.memory_space<hbm>>)
      %dma_start3A_489 = arith.constant 2 : i32
      %dma_start3A_490 = arith.constant 2 : i32
      %dma_start3A_491 = arith.constant 0 : i32
      %dma_start3A_492 = arith.constant 0 : i32
      %dma_start3A_493 = tpu.memref_slice %arg6[%dma_start3A_489, %dma_start3A_491, %dma_start3A_492] : memref<5x128x128xf32, #tpu.memory_space<vmem>> -> memref<1x128x128xf32, #tpu.memory_space<vmem>>
      %dma_start3A_494 = tpu.memref_squeeze %dma_start3A_493 : memref<1x128x128xf32, #tpu.memory_space<vmem>> -> memref<128x128xf32, #tpu.memory_space<vmem>>
      %dma_start3A_495 = arith.constant 0 : i32
      %dma_start3A_496 = tpu.memref_slice %arg5[%add3A_472, %dma_start3A_495] : memref<200x128xi32, #tpu.memory_space<vmem>> -> memref<1x128xi32, #tpu.memory_space<vmem>>
      %dma_start3A_497 = tpu.memref_squeeze %dma_start3A_496 : memref<1x128xi32, #tpu.memory_space<vmem>> -> memref<128xi32, #tpu.memory_space<vmem>>
      %dma_start3A_498 = arith.constant 0 : i32
      %dma_start3A_499 = arith.constant 0 : i32
      %dma_start3A_500 = tpu.memref_slice %arg2[%dma_start3A_498, %dma_start3A_499] : memref<1000000x128xf32, #tpu.memory_space<hbm>> -> memref<1000000x128xf32, #tpu.memory_space<hbm>>
      %dma_start3A_501 = tpu.memref_slice %arg7[%dma_start3A_490] : memref<5x!tpu.dma_semaphore, #tpu.memory_space<semaphore_mem>> -> memref<1x!tpu.dma_semaphore, #tpu.memory_space<semaphore_mem>>
      %dma_start3A_502 = tpu.memref_squeeze %dma_start3A_501 : memref<1x!tpu.dma_semaphore, #tpu.memory_space<semaphore_mem>> -> memref<!tpu.dma_semaphore, #tpu.memory_space<semaphore_mem>>
      tpu.enqueue_indirect_dma source(%dma_start3A_500 : memref<1000000x128xf32, #tpu.memory_space<hbm>>) target(%dma_start3A_494 : memref<128x128xf32, #tpu.memory_space<vmem>>) offsets(%dma_start3A_497 : memref<128xi32, #tpu.memory_space<vmem>>) semaphore(%dma_start3A_502 : memref<!tpu.dma_semaphore, #tpu.memory_space<semaphore_mem>>)
      %dma_wait3A_503 = arith.constant 0 : i32
      %dma_wait3A_504 = arith.constant 0 : i32
      %dma_wait3A_505 = arith.constant 0 : i32
      %dma_wait3A_506 = arith.constant 0 : i32
      %dma_wait3A_507 = arith.constant 0 : i32
      %dma_wait3A_508 = tpu.memref_slice %arg6[%dma_wait3A_504, %dma_wait3A_506, %dma_wait3A_507] : memref<5x128x128xf32, #tpu.memory_space<vmem>> -> memref<1x128x128xf32, #tpu.memory_space<vmem>>
      %dma_wait3A_509 = tpu.memref_squeeze %dma_wait3A_508 : memref<1x128x128xf32, #tpu.memory_space<vmem>> -> memref<128x128xf32, #tpu.memory_space<vmem>>
      %dma_wait3A_510 = arith.constant 0 : i32
      %dma_wait3A_511 = tpu.memref_slice %arg5[%dma_wait3A_503, %dma_wait3A_510] : memref<200x128xi32, #tpu.memory_space<vmem>> -> memref<1x128xi32, #tpu.memory_space<vmem>>
      %dma_wait3A_512 = tpu.memref_squeeze %dma_wait3A_511 : memref<1x128xi32, #tpu.memory_space<vmem>> -> memref<128xi32, #tpu.memory_space<vmem>>
      %dma_wait3A_513 = arith.constant 0 : i32
      %dma_wait3A_514 = arith.constant 0 : i32
      %dma_wait3A_515 = tpu.memref_slice %arg2[%dma_wait3A_513, %dma_wait3A_514] : memref<1000000x128xf32, #tpu.memory_space<hbm>> -> memref<1000000x128xf32, #tpu.memory_space<hbm>>
      %dma_wait3A_516 = tpu.memref_slice %arg7[%dma_wait3A_505] : memref<5x!tpu.dma_semaphore, #tpu.memory_space<semaphore_mem>> -> memref<1x!tpu.dma_semaphore, #tpu.memory_space<semaphore_mem>>
      %dma_wait3A_517 = tpu.memref_squeeze %dma_wait3A_516 : memref<1x!tpu.dma_semaphore, #tpu.memory_space<semaphore_mem>> -> memref<!tpu.dma_semaphore, #tpu.memory_space<semaphore_mem>>
      tpu.wait_indirect_dma semaphore(%dma_wait3A_517 : memref<!tpu.dma_semaphore, #tpu.memory_space<semaphore_mem>>) src(%dma_wait3A_515 : memref<1000000x128xf32, #tpu.memory_space<hbm>>) dst(%dma_wait3A_509 : memref<128x128xf32, #tpu.memory_space<vmem>>)
      %sub3A_518 = arith.constant 2 : i32
      %sub3A_519 = arith.subi %add3A_472, %sub3A_518 : i32
      %mul3A_520 = arith.constant 128 : i32
      %mul3A_521 = arith.muli %sub3A_519, %mul3A_520 : i32
      %add3A_522 = arith.addi %mul3A_2, %mul3A_521 : i32
      %dma_start3A_523 = arith.constant 0 : i32
      %dma_start3A_524 = arith.constant 0 : i32
      %dma_start3A_525 = arith.constant 0 : i32
      %dma_start3A_526 = arith.constant 0 : i32
      %dma_start3A_527 = tpu.memref_slice %arg6[%dma_start3A_523, %dma_start3A_525, %dma_start3A_526] : memref<5x128x128xf32, #tpu.memory_space<vmem>> -> memref<1x128x128xf32, #tpu.memory_space<vmem>>
      %dma_start3A_528 = tpu.memref_squeeze %dma_start3A_527 : memref<1x128x128xf32, #tpu.memory_space<vmem>> -> memref<128x128xf32, #tpu.memory_space<vmem>>
      %dma_start3A_529 = arith.constant 0 : i32
      %dma_start3A_530 = tpu.memref_slice %arg4[%add3A_522, %dma_start3A_529] : memref<819200x128xf32, #tpu.memory_space<hbm>> -> memref<128x128xf32, #tpu.memory_space<hbm>>
      %dma_start3A_531 = tpu.memref_slice %arg8[%dma_start3A_524] : memref<5x!tpu.dma_semaphore, #tpu.memory_space<semaphore_mem>> -> memref<1x!tpu.dma_semaphore, #tpu.memory_space<semaphore_mem>>
      %dma_start3A_532 = tpu.memref_squeeze %dma_start3A_531 : memref<1x!tpu.dma_semaphore, #tpu.memory_space<semaphore_mem>> -> memref<!tpu.dma_semaphore, #tpu.memory_space<semaphore_mem>>
      %dma_start3A_533 = arith.constant 0 : i32
      %dma_start3A_534 = tpu.memref_slice %arg4[%add3A_522, %dma_start3A_533] : memref<819200x128xf32, #tpu.memory_space<hbm>> -> memref<128x128xf32, #tpu.memory_space<hbm>>
      %dma_start3A_535 = arith.constant 0 : i32
      %dma_start3A_536 = arith.constant 0 : i32
      %dma_start3A_537 = tpu.memref_slice %arg6[%dma_start3A_523, %dma_start3A_535, %dma_start3A_536] : memref<5x128x128xf32, #tpu.memory_space<vmem>> -> memref<1x128x128xf32, #tpu.memory_space<vmem>>
      %dma_start3A_538 = tpu.memref_squeeze %dma_start3A_537 : memref<1x128x128xf32, #tpu.memory_space<vmem>> -> memref<128x128xf32, #tpu.memory_space<vmem>>
      tpu.enqueue_dma source(%dma_start3A_538 : memref<128x128xf32, #tpu.memory_space<vmem>>) target(%dma_start3A_534 : memref<128x128xf32, #tpu.memory_space<hbm>>) target_semaphore(%dma_start3A_532 : memref<!tpu.dma_semaphore, #tpu.memory_space<semaphore_mem>>)
      %mul3A_539 = arith.constant 5 : i32
      %mul3A_540 = arith.muli %add3A_329, %mul3A_539 : i32
      %add3A_541 = arith.constant 3 : i32
      %add3A_542 = arith.addi %mul3A_540, %add3A_541 : i32
      %dma_wait3A_543 = arith.constant 3 : i32
      %dma_wait3A_544 = arith.constant 3 : i32
      %dma_wait3A_545 = arith.constant 0 : i32
      %dma_wait3A_546 = arith.constant 0 : i32
      %dma_wait3A_547 = tpu.memref_slice %arg6[%dma_wait3A_543, %dma_wait3A_545, %dma_wait3A_546] : memref<5x128x128xf32, #tpu.memory_space<vmem>> -> memref<1x128x128xf32, #tpu.memory_space<vmem>>
      %dma_wait3A_548 = tpu.memref_squeeze %dma_wait3A_547 : memref<1x128x128xf32, #tpu.memory_space<vmem>> -> memref<128x128xf32, #tpu.memory_space<vmem>>
      %dma_wait3A_549 = arith.constant 0 : i32
      %dma_wait3A_550 = tpu.memref_slice %arg4[%mul3A_2, %dma_wait3A_549] : memref<819200x128xf32, #tpu.memory_space<hbm>> -> memref<128x128xf32, #tpu.memory_space<hbm>>
      %dma_wait3A_551 = tpu.memref_slice %arg8[%dma_wait3A_544] : memref<5x!tpu.dma_semaphore, #tpu.memory_space<semaphore_mem>> -> memref<1x!tpu.dma_semaphore, #tpu.memory_space<semaphore_mem>>
      %dma_wait3A_552 = tpu.memref_squeeze %dma_wait3A_551 : memref<1x!tpu.dma_semaphore, #tpu.memory_space<semaphore_mem>> -> memref<!tpu.dma_semaphore, #tpu.memory_space<semaphore_mem>>
      %dma_wait3A_553 = arith.constant 0 : i32
      %dma_wait3A_554 = tpu.memref_slice %arg4[%mul3A_2, %dma_wait3A_553] : memref<819200x128xf32, #tpu.memory_space<hbm>> -> memref<128x128xf32, #tpu.memory_space<hbm>>
      %dma_wait3A_555 = arith.constant 0 : i32
      %dma_wait3A_556 = arith.constant 0 : i32
      %dma_wait3A_557 = tpu.memref_slice %arg6[%dma_wait3A_543, %dma_wait3A_555, %dma_wait3A_556] : memref<5x128x128xf32, #tpu.memory_space<vmem>> -> memref<1x128x128xf32, #tpu.memory_space<vmem>>
      %dma_wait3A_558 = tpu.memref_squeeze %dma_wait3A_557 : memref<1x128x128xf32, #tpu.memory_space<vmem>> -> memref<128x128xf32, #tpu.memory_space<vmem>>
      tpu.wait_dma2 semaphore(%dma_wait3A_552 : memref<!tpu.dma_semaphore, #tpu.memory_space<semaphore_mem>>) src(%dma_wait3A_558 : memref<128x128xf32, #tpu.memory_space<vmem>>) dst(%dma_wait3A_554 : memref<128x128xf32, #tpu.memory_space<hbm>>)
      %dma_start3A_559 = arith.constant 3 : i32
      %dma_start3A_560 = arith.constant 3 : i32
      %dma_start3A_561 = arith.constant 0 : i32
      %dma_start3A_562 = arith.constant 0 : i32
      %dma_start3A_563 = tpu.memref_slice %arg6[%dma_start3A_559, %dma_start3A_561, %dma_start3A_562] : memref<5x128x128xf32, #tpu.memory_space<vmem>> -> memref<1x128x128xf32, #tpu.memory_space<vmem>>
      %dma_start3A_564 = tpu.memref_squeeze %dma_start3A_563 : memref<1x128x128xf32, #tpu.memory_space<vmem>> -> memref<128x128xf32, #tpu.memory_space<vmem>>
      %dma_start3A_565 = arith.constant 0 : i32
      %dma_start3A_566 = tpu.memref_slice %arg5[%add3A_542, %dma_start3A_565] : memref<200x128xi32, #tpu.memory_space<vmem>> -> memref<1x128xi32, #tpu.memory_space<vmem>>
      %dma_start3A_567 = tpu.memref_squeeze %dma_start3A_566 : memref<1x128xi32, #tpu.memory_space<vmem>> -> memref<128xi32, #tpu.memory_space<vmem>>
      %dma_start3A_568 = arith.constant 0 : i32
      %dma_start3A_569 = arith.constant 0 : i32
      %dma_start3A_570 = tpu.memref_slice %arg2[%dma_start3A_568, %dma_start3A_569] : memref<1000000x128xf32, #tpu.memory_space<hbm>> -> memref<1000000x128xf32, #tpu.memory_space<hbm>>
      %dma_start3A_571 = tpu.memref_slice %arg7[%dma_start3A_560] : memref<5x!tpu.dma_semaphore, #tpu.memory_space<semaphore_mem>> -> memref<1x!tpu.dma_semaphore, #tpu.memory_space<semaphore_mem>>
      %dma_start3A_572 = tpu.memref_squeeze %dma_start3A_571 : memref<1x!tpu.dma_semaphore, #tpu.memory_space<semaphore_mem>> -> memref<!tpu.dma_semaphore, #tpu.memory_space<semaphore_mem>>
      tpu.enqueue_indirect_dma source(%dma_start3A_570 : memref<1000000x128xf32, #tpu.memory_space<hbm>>) target(%dma_start3A_564 : memref<128x128xf32, #tpu.memory_space<vmem>>) offsets(%dma_start3A_567 : memref<128xi32, #tpu.memory_space<vmem>>) semaphore(%dma_start3A_572 : memref<!tpu.dma_semaphore, #tpu.memory_space<semaphore_mem>>)
      %dma_wait3A_573 = arith.constant 0 : i32
      %dma_wait3A_574 = arith.constant 1 : i32
      %dma_wait3A_575 = arith.constant 1 : i32
      %dma_wait3A_576 = arith.constant 0 : i32
      %dma_wait3A_577 = arith.constant 0 : i32
      %dma_wait3A_578 = tpu.memref_slice %arg6[%dma_wait3A_574, %dma_wait3A_576, %dma_wait3A_577] : memref<5x128x128xf32, #tpu.memory_space<vmem>> -> memref<1x128x128xf32, #tpu.memory_space<vmem>>
      %dma_wait3A_579 = tpu.memref_squeeze %dma_wait3A_578 : memref<1x128x128xf32, #tpu.memory_space<vmem>> -> memref<128x128xf32, #tpu.memory_space<vmem>>
      %dma_wait3A_580 = arith.constant 0 : i32
      %dma_wait3A_581 = tpu.memref_slice %arg5[%dma_wait3A_573, %dma_wait3A_580] : memref<200x128xi32, #tpu.memory_space<vmem>> -> memref<1x128xi32, #tpu.memory_space<vmem>>
      %dma_wait3A_582 = tpu.memref_squeeze %dma_wait3A_581 : memref<1x128xi32, #tpu.memory_space<vmem>> -> memref<128xi32, #tpu.memory_space<vmem>>
      %dma_wait3A_583 = arith.constant 0 : i32
      %dma_wait3A_584 = arith.constant 0 : i32
      %dma_wait3A_585 = tpu.memref_slice %arg2[%dma_wait3A_583, %dma_wait3A_584] : memref<1000000x128xf32, #tpu.memory_space<hbm>> -> memref<1000000x128xf32, #tpu.memory_space<hbm>>
      %dma_wait3A_586 = tpu.memref_slice %arg7[%dma_wait3A_575] : memref<5x!tpu.dma_semaphore, #tpu.memory_space<semaphore_mem>> -> memref<1x!tpu.dma_semaphore, #tpu.memory_space<semaphore_mem>>
      %dma_wait3A_587 = tpu.memref_squeeze %dma_wait3A_586 : memref<1x!tpu.dma_semaphore, #tpu.memory_space<semaphore_mem>> -> memref<!tpu.dma_semaphore, #tpu.memory_space<semaphore_mem>>
      tpu.wait_indirect_dma semaphore(%dma_wait3A_587 : memref<!tpu.dma_semaphore, #tpu.memory_space<semaphore_mem>>) src(%dma_wait3A_585 : memref<1000000x128xf32, #tpu.memory_space<hbm>>) dst(%dma_wait3A_579 : memref<128x128xf32, #tpu.memory_space<vmem>>)
      %sub3A_588 = arith.constant 2 : i32
      %sub3A_589 = arith.subi %add3A_542, %sub3A_588 : i32
      %mul3A_590 = arith.constant 128 : i32
      %mul3A_591 = arith.muli %sub3A_589, %mul3A_590 : i32
      %add3A_592 = arith.addi %mul3A_2, %mul3A_591 : i32
      %dma_start3A_593 = arith.constant 1 : i32
      %dma_start3A_594 = arith.constant 1 : i32
      %dma_start3A_595 = arith.constant 0 : i32
      %dma_start3A_596 = arith.constant 0 : i32
      %dma_start3A_597 = tpu.memref_slice %arg6[%dma_start3A_593, %dma_start3A_595, %dma_start3A_596] : memref<5x128x128xf32, #tpu.memory_space<vmem>> -> memref<1x128x128xf32, #tpu.memory_space<vmem>>
      %dma_start3A_598 = tpu.memref_squeeze %dma_start3A_597 : memref<1x128x128xf32, #tpu.memory_space<vmem>> -> memref<128x128xf32, #tpu.memory_space<vmem>>
      %dma_start3A_599 = arith.constant 0 : i32
      %dma_start3A_600 = tpu.memref_slice %arg4[%add3A_592, %dma_start3A_599] : memref<819200x128xf32, #tpu.memory_space<hbm>> -> memref<128x128xf32, #tpu.memory_space<hbm>>
      %dma_start3A_601 = tpu.memref_slice %arg8[%dma_start3A_594] : memref<5x!tpu.dma_semaphore, #tpu.memory_space<semaphore_mem>> -> memref<1x!tpu.dma_semaphore, #tpu.memory_space<semaphore_mem>>
      %dma_start3A_602 = tpu.memref_squeeze %dma_start3A_601 : memref<1x!tpu.dma_semaphore, #tpu.memory_space<semaphore_mem>> -> memref<!tpu.dma_semaphore, #tpu.memory_space<semaphore_mem>>
      %dma_start3A_603 = arith.constant 0 : i32
      %dma_start3A_604 = tpu.memref_slice %arg4[%add3A_592, %dma_start3A_603] : memref<819200x128xf32, #tpu.memory_space<hbm>> -> memref<128x128xf32, #tpu.memory_space<hbm>>
      %dma_start3A_605 = arith.constant 0 : i32
      %dma_start3A_606 = arith.constant 0 : i32
      %dma_start3A_607 = tpu.memref_slice %arg6[%dma_start3A_593, %dma_start3A_605, %dma_start3A_606] : memref<5x128x128xf32, #tpu.memory_space<vmem>> -> memref<1x128x128xf32, #tpu.memory_space<vmem>>
      %dma_start3A_608 = tpu.memref_squeeze %dma_start3A_607 : memref<1x128x128xf32, #tpu.memory_space<vmem>> -> memref<128x128xf32, #tpu.memory_space<vmem>>
      tpu.enqueue_dma source(%dma_start3A_608 : memref<128x128xf32, #tpu.memory_space<vmem>>) target(%dma_start3A_604 : memref<128x128xf32, #tpu.memory_space<hbm>>) target_semaphore(%dma_start3A_602 : memref<!tpu.dma_semaphore, #tpu.memory_space<semaphore_mem>>)
      %mul3A_609 = arith.constant 5 : i32
      %mul3A_610 = arith.muli %add3A_329, %mul3A_609 : i32
      %add3A_611 = arith.constant 4 : i32
      %add3A_612 = arith.addi %mul3A_610, %add3A_611 : i32
      %dma_wait3A_613 = arith.constant 4 : i32
      %dma_wait3A_614 = arith.constant 4 : i32
      %dma_wait3A_615 = arith.constant 0 : i32
      %dma_wait3A_616 = arith.constant 0 : i32
      %dma_wait3A_617 = tpu.memref_slice %arg6[%dma_wait3A_613, %dma_wait3A_615, %dma_wait3A_616] : memref<5x128x128xf32, #tpu.memory_space<vmem>> -> memref<1x128x128xf32, #tpu.memory_space<vmem>>
      %dma_wait3A_618 = tpu.memref_squeeze %dma_wait3A_617 : memref<1x128x128xf32, #tpu.memory_space<vmem>> -> memref<128x128xf32, #tpu.memory_space<vmem>>
      %dma_wait3A_619 = arith.constant 0 : i32
      %dma_wait3A_620 = tpu.memref_slice %arg4[%mul3A_2, %dma_wait3A_619] : memref<819200x128xf32, #tpu.memory_space<hbm>> -> memref<128x128xf32, #tpu.memory_space<hbm>>
      %dma_wait3A_621 = tpu.memref_slice %arg8[%dma_wait3A_614] : memref<5x!tpu.dma_semaphore, #tpu.memory_space<semaphore_mem>> -> memref<1x!tpu.dma_semaphore, #tpu.memory_space<semaphore_mem>>
      %dma_wait3A_622 = tpu.memref_squeeze %dma_wait3A_621 : memref<1x!tpu.dma_semaphore, #tpu.memory_space<semaphore_mem>> -> memref<!tpu.dma_semaphore, #tpu.memory_space<semaphore_mem>>
      %dma_wait3A_623 = arith.constant 0 : i32
      %dma_wait3A_624 = tpu.memref_slice %arg4[%mul3A_2, %dma_wait3A_623] : memref<819200x128xf32, #tpu.memory_space<hbm>> -> memref<128x128xf32, #tpu.memory_space<hbm>>
      %dma_wait3A_625 = arith.constant 0 : i32
      %dma_wait3A_626 = arith.constant 0 : i32
      %dma_wait3A_627 = tpu.memref_slice %arg6[%dma_wait3A_613, %dma_wait3A_625, %dma_wait3A_626] : memref<5x128x128xf32, #tpu.memory_space<vmem>> -> memref<1x128x128xf32, #tpu.memory_space<vmem>>
      %dma_wait3A_628 = tpu.memref_squeeze %dma_wait3A_627 : memref<1x128x128xf32, #tpu.memory_space<vmem>> -> memref<128x128xf32, #tpu.memory_space<vmem>>
      tpu.wait_dma2 semaphore(%dma_wait3A_622 : memref<!tpu.dma_semaphore, #tpu.memory_space<semaphore_mem>>) src(%dma_wait3A_628 : memref<128x128xf32, #tpu.memory_space<vmem>>) dst(%dma_wait3A_624 : memref<128x128xf32, #tpu.memory_space<hbm>>)
      %dma_start3A_629 = arith.constant 4 : i32
      %dma_start3A_630 = arith.constant 4 : i32
      %dma_start3A_631 = arith.constant 0 : i32
      %dma_start3A_632 = arith.constant 0 : i32
      %dma_start3A_633 = tpu.memref_slice %arg6[%dma_start3A_629, %dma_start3A_631, %dma_start3A_632] : memref<5x128x128xf32, #tpu.memory_space<vmem>> -> memref<1x128x128xf32, #tpu.memory_space<vmem>>
      %dma_start3A_634 = tpu.memref_squeeze %dma_start3A_633 : memref<1x128x128xf32, #tpu.memory_space<vmem>> -> memref<128x128xf32, #tpu.memory_space<vmem>>
      %dma_start3A_635 = arith.constant 0 : i32
      %dma_start3A_636 = tpu.memref_slice %arg5[%add3A_612, %dma_start3A_635] : memref<200x128xi32, #tpu.memory_space<vmem>> -> memref<1x128xi32, #tpu.memory_space<vmem>>
      %dma_start3A_637 = tpu.memref_squeeze %dma_start3A_636 : memref<1x128xi32, #tpu.memory_space<vmem>> -> memref<128xi32, #tpu.memory_space<vmem>>
      %dma_start3A_638 = arith.constant 0 : i32
      %dma_start3A_639 = arith.constant 0 : i32
      %dma_start3A_640 = tpu.memref_slice %arg2[%dma_start3A_638, %dma_start3A_639] : memref<1000000x128xf32, #tpu.memory_space<hbm>> -> memref<1000000x128xf32, #tpu.memory_space<hbm>>
      %dma_start3A_641 = tpu.memref_slice %arg7[%dma_start3A_630] : memref<5x!tpu.dma_semaphore, #tpu.memory_space<semaphore_mem>> -> memref<1x!tpu.dma_semaphore, #tpu.memory_space<semaphore_mem>>
      %dma_start3A_642 = tpu.memref_squeeze %dma_start3A_641 : memref<1x!tpu.dma_semaphore, #tpu.memory_space<semaphore_mem>> -> memref<!tpu.dma_semaphore, #tpu.memory_space<semaphore_mem>>
      tpu.enqueue_indirect_dma source(%dma_start3A_640 : memref<1000000x128xf32, #tpu.memory_space<hbm>>) target(%dma_start3A_634 : memref<128x128xf32, #tpu.memory_space<vmem>>) offsets(%dma_start3A_637 : memref<128xi32, #tpu.memory_space<vmem>>) semaphore(%dma_start3A_642 : memref<!tpu.dma_semaphore, #tpu.memory_space<semaphore_mem>>)
      %dma_wait3A_643 = arith.constant 0 : i32
      %dma_wait3A_644 = arith.constant 2 : i32
      %dma_wait3A_645 = arith.constant 2 : i32
      %dma_wait3A_646 = arith.constant 0 : i32
      %dma_wait3A_647 = arith.constant 0 : i32
      %dma_wait3A_648 = tpu.memref_slice %arg6[%dma_wait3A_644, %dma_wait3A_646, %dma_wait3A_647] : memref<5x128x128xf32, #tpu.memory_space<vmem>> -> memref<1x128x128xf32, #tpu.memory_space<vmem>>
      %dma_wait3A_649 = tpu.memref_squeeze %dma_wait3A_648 : memref<1x128x128xf32, #tpu.memory_space<vmem>> -> memref<128x128xf32, #tpu.memory_space<vmem>>
      %dma_wait3A_650 = arith.constant 0 : i32
      %dma_wait3A_651 = tpu.memref_slice %arg5[%dma_wait3A_643, %dma_wait3A_650] : memref<200x128xi32, #tpu.memory_space<vmem>> -> memref<1x128xi32, #tpu.memory_space<vmem>>
      %dma_wait3A_652 = tpu.memref_squeeze %dma_wait3A_651 : memref<1x128xi32, #tpu.memory_space<vmem>> -> memref<128xi32, #tpu.memory_space<vmem>>
      %dma_wait3A_653 = arith.constant 0 : i32
      %dma_wait3A_654 = arith.constant 0 : i32
      %dma_wait3A_655 = tpu.memref_slice %arg2[%dma_wait3A_653, %dma_wait3A_654] : memref<1000000x128xf32, #tpu.memory_space<hbm>> -> memref<1000000x128xf32, #tpu.memory_space<hbm>>
      %dma_wait3A_656 = tpu.memref_slice %arg7[%dma_wait3A_645] : memref<5x!tpu.dma_semaphore, #tpu.memory_space<semaphore_mem>> -> memref<1x!tpu.dma_semaphore, #tpu.memory_space<semaphore_mem>>
      %dma_wait3A_657 = tpu.memref_squeeze %dma_wait3A_656 : memref<1x!tpu.dma_semaphore, #tpu.memory_space<semaphore_mem>> -> memref<!tpu.dma_semaphore, #tpu.memory_space<semaphore_mem>>
      tpu.wait_indirect_dma semaphore(%dma_wait3A_657 : memref<!tpu.dma_semaphore, #tpu.memory_space<semaphore_mem>>) src(%dma_wait3A_655 : memref<1000000x128xf32, #tpu.memory_space<hbm>>) dst(%dma_wait3A_649 : memref<128x128xf32, #tpu.memory_space<vmem>>)
      %sub3A_658 = arith.constant 2 : i32
      %sub3A_659 = arith.subi %add3A_612, %sub3A_658 : i32
      %mul3A_660 = arith.constant 128 : i32
      %mul3A_661 = arith.muli %sub3A_659, %mul3A_660 : i32
      %add3A_662 = arith.addi %mul3A_2, %mul3A_661 : i32
      %dma_start3A_663 = arith.constant 2 : i32
      %dma_start3A_664 = arith.constant 2 : i32
      %dma_start3A_665 = arith.constant 0 : i32
      %dma_start3A_666 = arith.constant 0 : i32
      %dma_start3A_667 = tpu.memref_slice %arg6[%dma_start3A_663, %dma_start3A_665, %dma_start3A_666] : memref<5x128x128xf32, #tpu.memory_space<vmem>> -> memref<1x128x128xf32, #tpu.memory_space<vmem>>
      %dma_start3A_668 = tpu.memref_squeeze %dma_start3A_667 : memref<1x128x128xf32, #tpu.memory_space<vmem>> -> memref<128x128xf32, #tpu.memory_space<vmem>>
      %dma_start3A_669 = arith.constant 0 : i32
      %dma_start3A_670 = tpu.memref_slice %arg4[%add3A_662, %dma_start3A_669] : memref<819200x128xf32, #tpu.memory_space<hbm>> -> memref<128x128xf32, #tpu.memory_space<hbm>>
      %dma_start3A_671 = tpu.memref_slice %arg8[%dma_start3A_664] : memref<5x!tpu.dma_semaphore, #tpu.memory_space<semaphore_mem>> -> memref<1x!tpu.dma_semaphore, #tpu.memory_space<semaphore_mem>>
      %dma_start3A_672 = tpu.memref_squeeze %dma_start3A_671 : memref<1x!tpu.dma_semaphore, #tpu.memory_space<semaphore_mem>> -> memref<!tpu.dma_semaphore, #tpu.memory_space<semaphore_mem>>
      %dma_start3A_673 = arith.constant 0 : i32
      %dma_start3A_674 = tpu.memref_slice %arg4[%add3A_662, %dma_start3A_673] : memref<819200x128xf32, #tpu.memory_space<hbm>> -> memref<128x128xf32, #tpu.memory_space<hbm>>
      %dma_start3A_675 = arith.constant 0 : i32
      %dma_start3A_676 = arith.constant 0 : i32
      %dma_start3A_677 = tpu.memref_slice %arg6[%dma_start3A_663, %dma_start3A_675, %dma_start3A_676] : memref<5x128x128xf32, #tpu.memory_space<vmem>> -> memref<1x128x128xf32, #tpu.memory_space<vmem>>
      %dma_start3A_678 = tpu.memref_squeeze %dma_start3A_677 : memref<1x128x128xf32, #tpu.memory_space<vmem>> -> memref<128x128xf32, #tpu.memory_space<vmem>>
      tpu.enqueue_dma source(%dma_start3A_678 : memref<128x128xf32, #tpu.memory_space<vmem>>) target(%dma_start3A_674 : memref<128x128xf32, #tpu.memory_space<hbm>>) target_semaphore(%dma_start3A_672 : memref<!tpu.dma_semaphore, #tpu.memory_space<semaphore_mem>>)
    }
    %scan3A_178 = arith.constant 39 : i32
    %dma_wait3A_179 = arith.constant 0 : i32
    %dma_wait3A_180 = arith.constant 3 : i32
    %dma_wait3A_181 = arith.constant 3 : i32
    %dma_wait3A_182 = arith.constant 0 : i32
    %dma_wait3A_183 = arith.constant 0 : i32
    %dma_wait3A_184 = tpu.memref_slice %arg6[%dma_wait3A_180, %dma_wait3A_182, %dma_wait3A_183] : memref<5x128x128xf32, #tpu.memory_space<vmem>> -> memref<1x128x128xf32, #tpu.memory_space<vmem>>
    %dma_wait3A_185 = tpu.memref_squeeze %dma_wait3A_184 : memref<1x128x128xf32, #tpu.memory_space<vmem>> -> memref<128x128xf32, #tpu.memory_space<vmem>>
    %dma_wait3A_186 = arith.constant 0 : i32
    %dma_wait3A_187 = tpu.memref_slice %arg5[%dma_wait3A_179, %dma_wait3A_186] : memref<200x128xi32, #tpu.memory_space<vmem>> -> memref<1x128xi32, #tpu.memory_space<vmem>>
    %dma_wait3A_188 = tpu.memref_squeeze %dma_wait3A_187 : memref<1x128xi32, #tpu.memory_space<vmem>> -> memref<128xi32, #tpu.memory_space<vmem>>
    %dma_wait3A_189 = arith.constant 0 : i32
    %dma_wait3A_190 = arith.constant 0 : i32
    %dma_wait3A_191 = tpu.memref_slice %arg2[%dma_wait3A_189, %dma_wait3A_190] : memref<1000000x128xf32, #tpu.memory_space<hbm>> -> memref<1000000x128xf32, #tpu.memory_space<hbm>>
    %dma_wait3A_192 = tpu.memref_slice %arg7[%dma_wait3A_181] : memref<5x!tpu.dma_semaphore, #tpu.memory_space<semaphore_mem>> -> memref<1x!tpu.dma_semaphore, #tpu.memory_space<semaphore_mem>>
    %dma_wait3A_193 = tpu.memref_squeeze %dma_wait3A_192 : memref<1x!tpu.dma_semaphore, #tpu.memory_space<semaphore_mem>> -> memref<!tpu.dma_semaphore, #tpu.memory_space<semaphore_mem>>
    tpu.wait_indirect_dma semaphore(%dma_wait3A_193 : memref<!tpu.dma_semaphore, #tpu.memory_space<semaphore_mem>>) src(%dma_wait3A_191 : memref<1000000x128xf32, #tpu.memory_space<hbm>>) dst(%dma_wait3A_185 : memref<128x128xf32, #tpu.memory_space<vmem>>)
    %add3A_194 = arith.constant 25344 : i32
    %add3A_195 = arith.addi %mul3A_2, %add3A_194 : i32
    %dma_start3A_196 = arith.constant 3 : i32
    %dma_start3A_197 = arith.constant 3 : i32
    %dma_start3A_198 = arith.constant 0 : i32
    %dma_start3A_199 = arith.constant 0 : i32
    %dma_start3A_200 = tpu.memref_slice %arg6[%dma_start3A_196, %dma_start3A_198, %dma_start3A_199] : memref<5x128x128xf32, #tpu.memory_space<vmem>> -> memref<1x128x128xf32, #tpu.memory_space<vmem>>
    %dma_start3A_201 = tpu.memref_squeeze %dma_start3A_200 : memref<1x128x128xf32, #tpu.memory_space<vmem>> -> memref<128x128xf32, #tpu.memory_space<vmem>>
    %dma_start3A_202 = arith.constant 0 : i32
    %dma_start3A_203 = tpu.memref_slice %arg4[%add3A_195, %dma_start3A_202] : memref<819200x128xf32, #tpu.memory_space<hbm>> -> memref<128x128xf32, #tpu.memory_space<hbm>>
    %dma_start3A_204 = tpu.memref_slice %arg8[%dma_start3A_197] : memref<5x!tpu.dma_semaphore, #tpu.memory_space<semaphore_mem>> -> memref<1x!tpu.dma_semaphore, #tpu.memory_space<semaphore_mem>>
    %dma_start3A_205 = tpu.memref_squeeze %dma_start3A_204 : memref<1x!tpu.dma_semaphore, #tpu.memory_space<semaphore_mem>> -> memref<!tpu.dma_semaphore, #tpu.memory_space<semaphore_mem>>
    %dma_start3A_206 = arith.constant 0 : i32
    %dma_start3A_207 = tpu.memref_slice %arg4[%add3A_195, %dma_start3A_206] : memref<819200x128xf32, #tpu.memory_space<hbm>> -> memref<128x128xf32, #tpu.memory_space<hbm>>
    %dma_start3A_208 = arith.constant 0 : i32
    %dma_start3A_209 = arith.constant 0 : i32
    %dma_start3A_210 = tpu.memref_slice %arg6[%dma_start3A_196, %dma_start3A_208, %dma_start3A_209] : memref<5x128x128xf32, #tpu.memory_space<vmem>> -> memref<1x128x128xf32, #tpu.memory_space<vmem>>
    %dma_start3A_211 = tpu.memref_squeeze %dma_start3A_210 : memref<1x128x128xf32, #tpu.memory_space<vmem>> -> memref<128x128xf32, #tpu.memory_space<vmem>>
    tpu.enqueue_dma source(%dma_start3A_211 : memref<128x128xf32, #tpu.memory_space<vmem>>) target(%dma_start3A_207 : memref<128x128xf32, #tpu.memory_space<hbm>>) target_semaphore(%dma_start3A_205 : memref<!tpu.dma_semaphore, #tpu.memory_space<semaphore_mem>>)
    %dma_wait3A_212 = arith.constant 0 : i32
    %dma_wait3A_213 = arith.constant 4 : i32
    %dma_wait3A_214 = arith.constant 4 : i32
    %dma_wait3A_215 = arith.constant 0 : i32
    %dma_wait3A_216 = arith.constant 0 : i32
    %dma_wait3A_217 = tpu.memref_slice %arg6[%dma_wait3A_213, %dma_wait3A_215, %dma_wait3A_216] : memref<5x128x128xf32, #tpu.memory_space<vmem>> -> memref<1x128x128xf32, #tpu.memory_space<vmem>>
    %dma_wait3A_218 = tpu.memref_squeeze %dma_wait3A_217 : memref<1x128x128xf32, #tpu.memory_space<vmem>> -> memref<128x128xf32, #tpu.memory_space<vmem>>
    %dma_wait3A_219 = arith.constant 0 : i32
    %dma_wait3A_220 = tpu.memref_slice %arg5[%dma_wait3A_212, %dma_wait3A_219] : memref<200x128xi32, #tpu.memory_space<vmem>> -> memref<1x128xi32, #tpu.memory_space<vmem>>
    %dma_wait3A_221 = tpu.memref_squeeze %dma_wait3A_220 : memref<1x128xi32, #tpu.memory_space<vmem>> -> memref<128xi32, #tpu.memory_space<vmem>>
    %dma_wait3A_222 = arith.constant 0 : i32
    %dma_wait3A_223 = arith.constant 0 : i32
    %dma_wait3A_224 = tpu.memref_slice %arg2[%dma_wait3A_222, %dma_wait3A_223] : memref<1000000x128xf32, #tpu.memory_space<hbm>> -> memref<1000000x128xf32, #tpu.memory_space<hbm>>
    %dma_wait3A_225 = tpu.memref_slice %arg7[%dma_wait3A_214] : memref<5x!tpu.dma_semaphore, #tpu.memory_space<semaphore_mem>> -> memref<1x!tpu.dma_semaphore, #tpu.memory_space<semaphore_mem>>
    %dma_wait3A_226 = tpu.memref_squeeze %dma_wait3A_225 : memref<1x!tpu.dma_semaphore, #tpu.memory_space<semaphore_mem>> -> memref<!tpu.dma_semaphore, #tpu.memory_space<semaphore_mem>>
    tpu.wait_indirect_dma semaphore(%dma_wait3A_226 : memref<!tpu.dma_semaphore, #tpu.memory_space<semaphore_mem>>) src(%dma_wait3A_224 : memref<1000000x128xf32, #tpu.memory_space<hbm>>) dst(%dma_wait3A_218 : memref<128x128xf32, #tpu.memory_space<vmem>>)
    %add3A_227 = arith.constant 25472 : i32
    %add3A_228 = arith.addi %mul3A_2, %add3A_227 : i32
    %dma_start3A_229 = arith.constant 4 : i32
    %dma_start3A_230 = arith.constant 4 : i32
    %dma_start3A_231 = arith.constant 0 : i32
    %dma_start3A_232 = arith.constant 0 : i32
    %dma_start3A_233 = tpu.memref_slice %arg6[%dma_start3A_229, %dma_start3A_231, %dma_start3A_232] : memref<5x128x128xf32, #tpu.memory_space<vmem>> -> memref<1x128x128xf32, #tpu.memory_space<vmem>>
    %dma_start3A_234 = tpu.memref_squeeze %dma_start3A_233 : memref<1x128x128xf32, #tpu.memory_space<vmem>> -> memref<128x128xf32, #tpu.memory_space<vmem>>
    %dma_start3A_235 = arith.constant 0 : i32
    %dma_start3A_236 = tpu.memref_slice %arg4[%add3A_228, %dma_start3A_235] : memref<819200x128xf32, #tpu.memory_space<hbm>> -> memref<128x128xf32, #tpu.memory_space<hbm>>
    %dma_start3A_237 = tpu.memref_slice %arg8[%dma_start3A_230] : memref<5x!tpu.dma_semaphore, #tpu.memory_space<semaphore_mem>> -> memref<1x!tpu.dma_semaphore, #tpu.memory_space<semaphore_mem>>
    %dma_start3A_238 = tpu.memref_squeeze %dma_start3A_237 : memref<1x!tpu.dma_semaphore, #tpu.memory_space<semaphore_mem>> -> memref<!tpu.dma_semaphore, #tpu.memory_space<semaphore_mem>>
    %dma_start3A_239 = arith.constant 0 : i32
    %dma_start3A_240 = tpu.memref_slice %arg4[%add3A_228, %dma_start3A_239] : memref<819200x128xf32, #tpu.memory_space<hbm>> -> memref<128x128xf32, #tpu.memory_space<hbm>>
    %dma_start3A_241 = arith.constant 0 : i32
    %dma_start3A_242 = arith.constant 0 : i32
    %dma_start3A_243 = tpu.memref_slice %arg6[%dma_start3A_229, %dma_start3A_241, %dma_start3A_242] : memref<5x128x128xf32, #tpu.memory_space<vmem>> -> memref<1x128x128xf32, #tpu.memory_space<vmem>>
    %dma_start3A_244 = tpu.memref_squeeze %dma_start3A_243 : memref<1x128x128xf32, #tpu.memory_space<vmem>> -> memref<128x128xf32, #tpu.memory_space<vmem>>
    tpu.enqueue_dma source(%dma_start3A_244 : memref<128x128xf32, #tpu.memory_space<vmem>>) target(%dma_start3A_240 : memref<128x128xf32, #tpu.memory_space<hbm>>) target_semaphore(%dma_start3A_238 : memref<!tpu.dma_semaphore, #tpu.memory_space<semaphore_mem>>)
    %dma_wait3A_245 = arith.constant 0 : i32
    %dma_wait3A_246 = arith.constant 0 : i32
    %dma_wait3A_247 = arith.constant 0 : i32
    %dma_wait3A_248 = arith.constant 0 : i32
    %dma_wait3A_249 = tpu.memref_slice %arg6[%dma_wait3A_245, %dma_wait3A_247, %dma_wait3A_248] : memref<5x128x128xf32, #tpu.memory_space<vmem>> -> memref<1x128x128xf32, #tpu.memory_space<vmem>>
    %dma_wait3A_250 = tpu.memref_squeeze %dma_wait3A_249 : memref<1x128x128xf32, #tpu.memory_space<vmem>> -> memref<128x128xf32, #tpu.memory_space<vmem>>
    %dma_wait3A_251 = arith.constant 0 : i32
    %dma_wait3A_252 = tpu.memref_slice %arg4[%mul3A_2, %dma_wait3A_251] : memref<819200x128xf32, #tpu.memory_space<hbm>> -> memref<128x128xf32, #tpu.memory_space<hbm>>
    %dma_wait3A_253 = tpu.memref_slice %arg8[%dma_wait3A_246] : memref<5x!tpu.dma_semaphore, #tpu.memory_space<semaphore_mem>> -> memref<1x!tpu.dma_semaphore, #tpu.memory_space<semaphore_mem>>
    %dma_wait3A_254 = tpu.memref_squeeze %dma_wait3A_253 : memref<1x!tpu.dma_semaphore, #tpu.memory_space<semaphore_mem>> -> memref<!tpu.dma_semaphore, #tpu.memory_space<semaphore_mem>>
    %dma_wait3A_255 = arith.constant 0 : i32
    %dma_wait3A_256 = tpu.memref_slice %arg4[%mul3A_2, %dma_wait3A_255] : memref<819200x128xf32, #tpu.memory_space<hbm>> -> memref<128x128xf32, #tpu.memory_space<hbm>>
    %dma_wait3A_257 = arith.constant 0 : i32
    %dma_wait3A_258 = arith.constant 0 : i32
    %dma_wait3A_259 = tpu.memref_slice %arg6[%dma_wait3A_245, %dma_wait3A_257, %dma_wait3A_258] : memref<5x128x128xf32, #tpu.memory_space<vmem>> -> memref<1x128x128xf32, #tpu.memory_space<vmem>>
    %dma_wait3A_260 = tpu.memref_squeeze %dma_wait3A_259 : memref<1x128x128xf32, #tpu.memory_space<vmem>> -> memref<128x128xf32, #tpu.memory_space<vmem>>
    tpu.wait_dma2 semaphore(%dma_wait3A_254 : memref<!tpu.dma_semaphore, #tpu.memory_space<semaphore_mem>>) src(%dma_wait3A_260 : memref<128x128xf32, #tpu.memory_space<vmem>>) dst(%dma_wait3A_256 : memref<128x128xf32, #tpu.memory_space<hbm>>)
    %dma_wait3A_261 = arith.constant 1 : i32
    %dma_wait3A_262 = arith.constant 1 : i32
    %dma_wait3A_263 = arith.constant 0 : i32
    %dma_wait3A_264 = arith.constant 0 : i32
    %dma_wait3A_265 = tpu.memref_slice %arg6[%dma_wait3A_261, %dma_wait3A_263, %dma_wait3A_264] : memref<5x128x128xf32, #tpu.memory_space<vmem>> -> memref<1x128x128xf32, #tpu.memory_space<vmem>>
    %dma_wait3A_266 = tpu.memref_squeeze %dma_wait3A_265 : memref<1x128x128xf32, #tpu.memory_space<vmem>> -> memref<128x128xf32, #tpu.memory_space<vmem>>
    %dma_wait3A_267 = arith.constant 0 : i32
    %dma_wait3A_268 = tpu.memref_slice %arg4[%mul3A_2, %dma_wait3A_267] : memref<819200x128xf32, #tpu.memory_space<hbm>> -> memref<128x128xf32, #tpu.memory_space<hbm>>
    %dma_wait3A_269 = tpu.memref_slice %arg8[%dma_wait3A_262] : memref<5x!tpu.dma_semaphore, #tpu.memory_space<semaphore_mem>> -> memref<1x!tpu.dma_semaphore, #tpu.memory_space<semaphore_mem>>
    %dma_wait3A_270 = tpu.memref_squeeze %dma_wait3A_269 : memref<1x!tpu.dma_semaphore, #tpu.memory_space<semaphore_mem>> -> memref<!tpu.dma_semaphore, #tpu.memory_space<semaphore_mem>>
    %dma_wait3A_271 = arith.constant 0 : i32
    %dma_wait3A_272 = tpu.memref_slice %arg4[%mul3A_2, %dma_wait3A_271] : memref<819200x128xf32, #tpu.memory_space<hbm>> -> memref<128x128xf32, #tpu.memory_space<hbm>>
    %dma_wait3A_273 = arith.constant 0 : i32
    %dma_wait3A_274 = arith.constant 0 : i32
    %dma_wait3A_275 = tpu.memref_slice %arg6[%dma_wait3A_261, %dma_wait3A_273, %dma_wait3A_274] : memref<5x128x128xf32, #tpu.memory_space<vmem>> -> memref<1x128x128xf32, #tpu.memory_space<vmem>>
    %dma_wait3A_276 = tpu.memref_squeeze %dma_wait3A_275 : memref<1x128x128xf32, #tpu.memory_space<vmem>> -> memref<128x128xf32, #tpu.memory_space<vmem>>
    tpu.wait_dma2 semaphore(%dma_wait3A_270 : memref<!tpu.dma_semaphore, #tpu.memory_space<semaphore_mem>>) src(%dma_wait3A_276 : memref<128x128xf32, #tpu.memory_space<vmem>>) dst(%dma_wait3A_272 : memref<128x128xf32, #tpu.memory_space<hbm>>)
    %dma_wait3A_277 = arith.constant 2 : i32
    %dma_wait3A_278 = arith.constant 2 : i32
    %dma_wait3A_279 = arith.constant 0 : i32
    %dma_wait3A_280 = arith.constant 0 : i32
    %dma_wait3A_281 = tpu.memref_slice %arg6[%dma_wait3A_277, %dma_wait3A_279, %dma_wait3A_280] : memref<5x128x128xf32, #tpu.memory_space<vmem>> -> memref<1x128x128xf32, #tpu.memory_space<vmem>>
    %dma_wait3A_282 = tpu.memref_squeeze %dma_wait3A_281 : memref<1x128x128xf32, #tpu.memory_space<vmem>> -> memref<128x128xf32, #tpu.memory_space<vmem>>
    %dma_wait3A_283 = arith.constant 0 : i32
    %dma_wait3A_284 = tpu.memref_slice %arg4[%mul3A_2, %dma_wait3A_283] : memref<819200x128xf32, #tpu.memory_space<hbm>> -> memref<128x128xf32, #tpu.memory_space<hbm>>
    %dma_wait3A_285 = tpu.memref_slice %arg8[%dma_wait3A_278] : memref<5x!tpu.dma_semaphore, #tpu.memory_space<semaphore_mem>> -> memref<1x!tpu.dma_semaphore, #tpu.memory_space<semaphore_mem>>
    %dma_wait3A_286 = tpu.memref_squeeze %dma_wait3A_285 : memref<1x!tpu.dma_semaphore, #tpu.memory_space<semaphore_mem>> -> memref<!tpu.dma_semaphore, #tpu.memory_space<semaphore_mem>>
    %dma_wait3A_287 = arith.constant 0 : i32
    %dma_wait3A_288 = tpu.memref_slice %arg4[%mul3A_2, %dma_wait3A_287] : memref<819200x128xf32, #tpu.memory_space<hbm>> -> memref<128x128xf32, #tpu.memory_space<hbm>>
    %dma_wait3A_289 = arith.constant 0 : i32
    %dma_wait3A_290 = arith.constant 0 : i32
    %dma_wait3A_291 = tpu.memref_slice %arg6[%dma_wait3A_277, %dma_wait3A_289, %dma_wait3A_290] : memref<5x128x128xf32, #tpu.memory_space<vmem>> -> memref<1x128x128xf32, #tpu.memory_space<vmem>>
    %dma_wait3A_292 = tpu.memref_squeeze %dma_wait3A_291 : memref<1x128x128xf32, #tpu.memory_space<vmem>> -> memref<128x128xf32, #tpu.memory_space<vmem>>
    tpu.wait_dma2 semaphore(%dma_wait3A_286 : memref<!tpu.dma_semaphore, #tpu.memory_space<semaphore_mem>>) src(%dma_wait3A_292 : memref<128x128xf32, #tpu.memory_space<vmem>>) dst(%dma_wait3A_288 : memref<128x128xf32, #tpu.memory_space<hbm>>)
    %dma_wait3A_293 = arith.constant 3 : i32
    %dma_wait3A_294 = arith.constant 3 : i32
    %dma_wait3A_295 = arith.constant 0 : i32
    %dma_wait3A_296 = arith.constant 0 : i32
    %dma_wait3A_297 = tpu.memref_slice %arg6[%dma_wait3A_293, %dma_wait3A_295, %dma_wait3A_296] : memref<5x128x128xf32, #tpu.memory_space<vmem>> -> memref<1x128x128xf32, #tpu.memory_space<vmem>>
    %dma_wait3A_298 = tpu.memref_squeeze %dma_wait3A_297 : memref<1x128x128xf32, #tpu.memory_space<vmem>> -> memref<128x128xf32, #tpu.memory_space<vmem>>
    %dma_wait3A_299 = arith.constant 0 : i32
    %dma_wait3A_300 = tpu.memref_slice %arg4[%mul3A_2, %dma_wait3A_299] : memref<819200x128xf32, #tpu.memory_space<hbm>> -> memref<128x128xf32, #tpu.memory_space<hbm>>
    %dma_wait3A_301 = tpu.memref_slice %arg8[%dma_wait3A_294] : memref<5x!tpu.dma_semaphore, #tpu.memory_space<semaphore_mem>> -> memref<1x!tpu.dma_semaphore, #tpu.memory_space<semaphore_mem>>
    %dma_wait3A_302 = tpu.memref_squeeze %dma_wait3A_301 : memref<1x!tpu.dma_semaphore, #tpu.memory_space<semaphore_mem>> -> memref<!tpu.dma_semaphore, #tpu.memory_space<semaphore_mem>>
    %dma_wait3A_303 = arith.constant 0 : i32
    %dma_wait3A_304 = tpu.memref_slice %arg4[%mul3A_2, %dma_wait3A_303] : memref<819200x128xf32, #tpu.memory_space<hbm>> -> memref<128x128xf32, #tpu.memory_space<hbm>>
    %dma_wait3A_305 = arith.constant 0 : i32
    %dma_wait3A_306 = arith.constant 0 : i32
    %dma_wait3A_307 = tpu.memref_slice %arg6[%dma_wait3A_293, %dma_wait3A_305, %dma_wait3A_306] : memref<5x128x128xf32, #tpu.memory_space<vmem>> -> memref<1x128x128xf32, #tpu.memory_space<vmem>>
    %dma_wait3A_308 = tpu.memref_squeeze %dma_wait3A_307 : memref<1x128x128xf32, #tpu.memory_space<vmem>> -> memref<128x128xf32, #tpu.memory_space<vmem>>
    tpu.wait_dma2 semaphore(%dma_wait3A_302 : memref<!tpu.dma_semaphore, #tpu.memory_space<semaphore_mem>>) src(%dma_wait3A_308 : memref<128x128xf32, #tpu.memory_space<vmem>>) dst(%dma_wait3A_304 : memref<128x128xf32, #tpu.memory_space<hbm>>)
    %dma_wait3A_309 = arith.constant 4 : i32
    %dma_wait3A_310 = arith.constant 4 : i32
    %dma_wait3A_311 = arith.constant 0 : i32
    %dma_wait3A_312 = arith.constant 0 : i32
    %dma_wait3A_313 = tpu.memref_slice %arg6[%dma_wait3A_309, %dma_wait3A_311, %dma_wait3A_312] : memref<5x128x128xf32, #tpu.memory_space<vmem>> -> memref<1x128x128xf32, #tpu.memory_space<vmem>>
    %dma_wait3A_314 = tpu.memref_squeeze %dma_wait3A_313 : memref<1x128x128xf32, #tpu.memory_space<vmem>> -> memref<128x128xf32, #tpu.memory_space<vmem>>
    %dma_wait3A_315 = arith.constant 0 : i32
    %dma_wait3A_316 = tpu.memref_slice %arg4[%mul3A_2, %dma_wait3A_315] : memref<819200x128xf32, #tpu.memory_space<hbm>> -> memref<128x128xf32, #tpu.memory_space<hbm>>
    %dma_wait3A_317 = tpu.memref_slice %arg8[%dma_wait3A_310] : memref<5x!tpu.dma_semaphore, #tpu.memory_space<semaphore_mem>> -> memref<1x!tpu.dma_semaphore, #tpu.memory_space<semaphore_mem>>
    %dma_wait3A_318 = tpu.memref_squeeze %dma_wait3A_317 : memref<1x!tpu.dma_semaphore, #tpu.memory_space<semaphore_mem>> -> memref<!tpu.dma_semaphore, #tpu.memory_space<semaphore_mem>>
    %dma_wait3A_319 = arith.constant 0 : i32
    %dma_wait3A_320 = tpu.memref_slice %arg4[%mul3A_2, %dma_wait3A_319] : memref<819200x128xf32, #tpu.memory_space<hbm>> -> memref<128x128xf32, #tpu.memory_space<hbm>>
    %dma_wait3A_321 = arith.constant 0 : i32
    %dma_wait3A_322 = arith.constant 0 : i32
    %dma_wait3A_323 = tpu.memref_slice %arg6[%dma_wait3A_309, %dma_wait3A_321, %dma_wait3A_322] : memref<5x128x128xf32, #tpu.memory_space<vmem>> -> memref<1x128x128xf32, #tpu.memory_space<vmem>>
    %dma_wait3A_324 = tpu.memref_squeeze %dma_wait3A_323 : memref<1x128x128xf32, #tpu.memory_space<vmem>> -> memref<128x128xf32, #tpu.memory_space<vmem>>
    tpu.wait_dma2 semaphore(%dma_wait3A_318 : memref<!tpu.dma_semaphore, #tpu.memory_space<semaphore_mem>>) src(%dma_wait3A_324 : memref<128x128xf32, #tpu.memory_space<vmem>>) dst(%dma_wait3A_320 : memref<128x128xf32, #tpu.memory_space<hbm>>)
    return
  }
}

</mosaic_0001>

<sc_bundles>
// kernel: _sc_gather.3.cloned.1.call-start
scs
__scs_entry_jumppad:
0x0: {  	(pc) =	sbr.rel $0x88, $3  }
0x1: {  	(tag) =	ssettag $0x0;
	lr =	simm.s32 $0x1  }
0x2: {  	[smem:$0x3F9F] =	sst lr;
	_ =	strace $0xD0000000  }
0x3: {  	_ = 	snop  }
0x4: {  	_ = 	snop  }
0x5: {  	_ = 	snop  }
0x6: {  	_ = 	snop  }
0x7: {  	_ = 	snop  }
__scs_overlays_trampoline_lowered:
0x8: {  	[smem:$0x3FAE] =	sst s0  }
0x9: {  	[smem:$0x3FAF] =	sst s1  }
0xa: {  	[smem:$0x3FB0] =	sst s2  }
0xb: {  	[smem:$0x3FB1] =	sst s3  }
0xc: {  	[smem:$0x3FB2] =	sst s4  }
0xd: {  	[smem:$0x3FB3] =	sst s5  }
0xe: {  	[smem:$0x3FB4] =	sst s6  }
0xf: {  	[smem:$0x3FB5] =	sst s7  }
0x10: {  	[smem:$0x3FB6] =	sst s8  }
0x11: {  	[smem:$0x3FB7] =	sst s9;
	s0 =	simm.s32 @!p0 $0x0  }
0x12: {  	s1 =	sld [smem:$0x3F9D];
	s0 =	simm.s32 @p0 $0x1  }
0x13: {  	[smem:$0x3FB8] =	sst s0;
	s0 =	simm.s32 @!p1 $0x0  }
0x14: {  	s2 =	sld [smem:$0x3F9C];
	s0 =	simm.s32 @p1 $0x1  }
0x15: {  	[smem:$0x3FB9] =	sst s0;
	s0 =	simm.s32 @!p2 $0x0  }
0x16: {  	s3 =	sld [smem:$0x3FDB];
	s0 =	simm.s32 @p2 $0x1  }
0x17: {  	s4 =	simm.s32 $0x1BF5;
	[smem:$0x3FBB] =	sst s0  }
0x18: {  	s0 =	sld [smem:$0x3F9E];
	_ =	swait.ge [sflag:s4], $0x0  }
0x19: {  	s7 =	sld [smem:$0x3F9F]  }
0x1a: {  	s8 =	sadd.s32 $0xFFFFE003, lr  }
0x1b: {  	s9 =	sadd.s32 $0xFFFFFEF7, lr;
	s5 =	simm.s32 $0xFFFFFFFF;
	p2 =	slt.u32 s8, $0xFFFFF086  }
0x1c: {  	p1 =	slt.u32 s9, $0xF7A;
	s5 =	simm.s32 @!p2 $0x0  }
0x1d: {  	s5 =	simm.s32 @p1 $0x1;
	p0 =	seq.s32 s7, s2  }
0x1e: {  	s7 =	smul.u32 @!p0 $0xF7A, s2;
	p2 =	seq.s32 @!p0 s5, $0x0  }
0x1f: {  	s9 =	smul.u32 $0xF7A, s1;
	s8 =	simm.s32 @!p0 $0x1BF5;
	p2 =	por !p2, p0  }
0x20: {  	[sflag:s8] =	ssyncset.s32 @!p0 $0xFFFFF086;
	s6 =	sadd.s32 @!p0 s3, s7;
	s7 =	simm.s32 @!p0 $0x108  }
0x21: {  	s3 =	sadd.s32 s3, s9;
	s6 =	sadd.s32 @!p0 $0x88, s6;
	s7 =	simm.s32 @p2 $0x1082  }
0x22: {  	[simem:s7], [sflag:s8] =	dma.local @!p0 [hbm:s6], $0xF7A  }
0x23: {  	s9 =	sor.u32 $0xD0000000, s2;
	s6 =	simm.s32 $0x108;
	_ =	swait.ge @!p0 [sflag:s8], $0x0  }
0x24: {  	s3 =	sadd.s32 $0x88, s3;
	s6 =	simm.s32 @!p1 $0x1082;
	[sflag:s4] =	ssyncset.s32 $0xFFFFF086  }
0x25: {  	[simem:s6], [sflag:s4] =	dma.local [hbm:s3], $0xF7A  }
0x26: {  	[smem:$0x3F9F] =	sst s1;
	(tag) =	ssettag s2;
	_ =	strace s9  }
0x27: {  	s1 =	sld [smem:$0x3FAF]  }
0x28: {  	s2 =	sld [smem:$0x3FB0]  }
0x29: {  	s4 =	sld [smem:$0x3FB2]  }
0x2a: {  	p0 =	seq.s32 s5, $0x0;
	s5 =	sld [smem:$0x3FB3]  }
0x2b: {  	s6 =	sld [smem:$0x3FB4]  }
0x2c: {  	s7 =	sld [smem:$0x3FB5]  }
0x2d: {  	s3 =	simm.s32 $0x108;
	s8 =	sld [smem:$0x3FB6]  }
0x2e: {  	s3 =	simm.s32 @!p0 $0x1082;
	s9 =	sld [smem:$0x3FB7]  }
0x2f: {  	lr =	sadd.s32 s0, s3;
	s0 =	sld [smem:$0x3FAE]  }
0x30: {  	s3 =	sld [smem:$0x3FB1]  }
0x31: {  	[smem:$0x3FBA] =	sst s10  }
0x32: {  	s10 =	sld [smem:$0x3FB8];
	_ =	sdelay $0x3  }
0x33: {  	p0 =	seq.s32 s10, $0x1;
	s10 =	sld [smem:$0x3FBA];
	_ =	sdelay $0x3  }
0x34: {  	[smem:$0x3FBA] =	sst s10  }
0x35: {  	s10 =	sld [smem:$0x3FB9];
	_ =	sdelay $0x3  }
0x36: {  	p1 =	seq.s32 s10, $0x1;
	s10 =	sld [smem:$0x3FBA];
	_ =	sdelay $0x3  }
0x37: {  	[smem:$0x3FBA] =	sst s10  }
0x38: {  	s10 =	sld [smem:$0x3FBB]  }
0x39: {  	_ = 	snop;
	(pc) =	sbr.ind lr, $3  }
0x3a: {  	_ = 	snop  }
0x3b: {  	_ = 	snop  }
0x3c: {  	p2 =	seq.s32 s10, $0x1;
	s10 =	sld [smem:$0x3FBA]  }
0x3d: {  	_ =	shalt  }
0x3e: {  	_ =	shalt  }
0x3f: {  	_ =	shalt  }
0x40: {  	_ =	shalt  }
0x41: {  	_ =	shalt  }
0x42: {  	_ =	shalt  }
0x43: {  	_ =	shalt  }
0x44: {  	_ =	shalt  }
0x45: {  	_ =	shalt  }
0x46: {  	_ =	shalt  }
0x47: {  	_ =	shalt  }
0x48: {  	_ =	shalt  }
0x49: {  	_ =	shalt  }
0x4a: {  	_ =	shalt  }
0x4b: {  	_ =	shalt  }
0x4c: {  	_ =	shalt  }
0x4d: {  	_ =	shalt  }
0x4e: {  	_ =	shalt  }
0x4f: {  	_ =	shalt  }
0x50: {  	_ =	shalt  }
0x51: {  	_ =	shalt  }
0x52: {  	_ =	shalt  }
0x53: {  	_ =	shalt  }
0x54: {  	_ =	shalt  }
0x55: {  	_ =	shalt  }
0x56: {  	_ =	shalt  }
0x57: {  	_ =	shalt  }
0x58: {  	_ =	shalt  }
0x59: {  	_ =	shalt  }
0x5a: {  	_ =	shalt  }
0x5b: {  	_ =	shalt  }
0x5c: {  	_ =	shalt  }
0x5d: {  	_ =	shalt  }
0x5e: {  	_ =	shalt  }
0x5f: {  	_ =	shalt  }
0x60: {  	_ =	shalt  }
0x61: {  	_ =	shalt  }
0x62: {  	_ =	shalt  }
0x63: {  	_ =	shalt  }
0x64: {  	_ =	shalt  }
0x65: {  	_ =	shalt  }
0x66: {  	_ =	shalt  }
0x67: {  	_ =	shalt  }
0x68: {  	_ =	shalt  }
0x69: {  	_ =	shalt  }
0x6a: {  	_ =	shalt  }
0x6b: {  	_ =	shalt  }
0x6c: {  	_ =	shalt  }
0x6d: {  	_ =	shalt  }
0x6e: {  	_ =	shalt  }
0x6f: {  	_ =	shalt  }
0x70: {  	_ =	shalt  }
0x71: {  	_ =	shalt  }
0x72: {  	_ =	shalt  }
0x73: {  	_ =	shalt  }
0x74: {  	_ =	shalt  }
0x75: {  	_ =	shalt  }
0x76: {  	_ =	shalt  }
0x77: {  	_ =	shalt  }
0x78: {  	_ =	shalt  }
0x79: {  	_ =	shalt  }
0x7a: {  	_ =	shalt  }
0x7b: {  	_ =	shalt  }
0x7c: {  	_ =	shalt  }
0x7d: {  	_ =	shalt  }
0x7e: {  	_ =	shalt  }
0x7f: {  	_ =	shalt  }
0x80: {  	_ =	shalt  }
0x81: {  	_ =	shalt  }
0x82: {  	_ =	shalt  }
0x83: {  	_ =	shalt  }
0x84: {  	_ =	shalt  }
0x85: {  	_ =	shalt  }
0x86: {  	_ =	shalt  }
0x87: {  	_ =	shalt  }
.Lfunc_end0:
.L_simem_size_0:
called_computation_lowered:
.L_overlay_start_0:
0x88: {  	s2 =	sld [smem:$0x3FD9]  }
0x89: {  	s3 =	sld [smem:$0x3FFE];
	_ =	sdelay $0x1  }
0x8a: {  	s1 =	srdreg.scid  }
0x8b: {  	s0 =	sand.u32 $0x1, s1  }
0x8c: {  	s18 =	sshll.u32 s0, $0xA;
	s2 =	sadd.s32 s3, s2  }
0x8d: {  	s2 =	sadd.s32 s2, s18  }
0x8e: {  	[smem:$0x3FC6] =	sst s2  }
0x8f: {  	_ = 	snop  }
0x90: {  	s2 =	sld [smem:$0x3FC9]  }
0x91: {  	s19 =	sld [smem:$0x3FC8]  }
0x92: {  	s4 =	sld [smem:$0x3FD0];
	(tm) =	ssettm $0x1  }
0x93: {  	s5 =	sld [smem:$0x3FFB];
	_ =	sdelay $0x3  }
0x94: {  	_ =	strace s5  }
0x95: {  	s5 =	sld [smem:$0x3FFC];
	_ =	sdelay $0x3  }
0x96: {  	_ =	strace s5  }
0x97: {  	s5 =	sld [smem:$0x3FFD];
	_ =	sdelay $0x3  }
0x98: {  	_ =	strace s5  }
0x99: {  	_ =	strace $0x8FFFFFFF  }
0x9a: {  	s20 =	sld [smem:$0x3FDB];
	_ =	sdelay $0x1  }
0x9b: {  	s6 =	simm.s32 $_scs_section_size  }
0x9c: {  	s7 =	simm.s32 $_size__tile_overlayer_lowered;
	s8 =	simm.s32 $_tile_overlayer_lowered  }
0x9d: {  	s23 =	simm.s32 $0x1BFF;
	s22 =	sshll.u32 s8, $0x1;
	s5 =	sadd.s32 s6, s20  }
0x9e: {  	s9 =	simm.s32 $0x0;
	s21 =	sshll.u32 s7, $0x1;
	s7 =	sadd.s32 s22, s5  }
0x9f: {  	[timem:s9], [sflag:s23] =	dma.local [hbm:s7], s21  }
0xa0: {  	_ =	swait.ge [sflag:s23], s21  }
0xa1: {  	s6 =	ssub.s32 $0x0, s21;
	[sflag:s23] =	ssyncset.done $0x0  }
0xa2: {  	[sflag:s23] =	ssyncadd.s32 s6;
	_ =	sdelay $0x1  }
0xa3: {  	s24 =	simm.s32 $0x1B8B  }
0xa4: {  	_ =	swait.ge [sflag:s24], $0x1  }
0xa5: {  	[sflag:s24] =	ssyncset.done $0x0  }
0xa6: {  	s25 =	simm.s32 $0x1B8E;
	[sflag:s24] =	ssyncadd.s32 $0xFFFFFFFF  }
0xa7: {  	s26 =	simm.s32 $execute0_lowered;
	[smem:$0x3FD2] =	sst s25  }
0xa8: {  	s6 =	sshll.u32 s26, $0x1;
	_ =	strace $0x80000046;
	[dreg:$0x1] =	wrdreg $0xFFFFFFFF  }
0xa9: {  	s28 =	simm.s32 $_size_execute0_lowered;
	s5 =	sadd.s32 s5, s6;
	[dreg:$0x0] =	wrdreg $0x0  }
0xaa: {  	s6 =	sshll.u32 s28, $0x1;
	[dreg:$0x2] =	wrdreg s5  }
0xab: {  	[dreg:$0x3] =	wrdreg s6  }
0xac: {  	[dreg:$0x4] =	wrdreg $0xC0  }
0xad: {  	_ =	task [dreg:s9], $0x5FFFF  }
0xae: {  	[dreg:$0x1] =	wrdreg $0xFFFFFFFF  }
0xaf: {  	[dreg:$0x0] =	wrdreg $0x60  }
0xb0: {  	[dreg:$0x2] =	wrdreg s19  }
0xb1: {  	[dreg:$0x3] =	wrdreg s2  }
0xb2: {  	[dreg:$0x4] =	wrdreg s4  }
0xb3: {  	[dreg:$0x5] =	wrdreg $0x9  }
0xb4: {  	_ =	task.clear_ibuf [dreg:s9], $0x6FFFF;
	_ =	strace $0x90000046  }
0xb5: {  	s29 =	simm.s32 $0x9;
	_ =	strace $0x80000048  }
0xb6: {  	_ =	swait.ge [sflag:s29], $0x1  }
0xb7: {  	[sflag:s29] =	ssyncadd.s32 $0xFFFFFFFF  }
0xb8: {  	_ =	strace $0x90000048  }
0xb9: {  	_ =	sfence  }
0xba: {  	s30 =	sld [smem:$0x0];
	_ =	sdelay $0x2  }
0xbb: {  	s31 =	sshll.u32 s1, $0xD;
	s1 =	sshrl.u32 s1, $0x2  }
0xbc: {  	s3 =	sand.u32 $0x4000, s31;
	s1 =	sadd.s32 s1, s30  }
0xbd: {  	s0 =	sor.u32 s3, s0;
	s1 =	sshll.u32 s1, $0x11  }
0xbe: {  	s0 =	sor.u32 s1, s0  }
0xbf: {  	s0 =	sadd.s32 $0x8F2B, s0  }
0xc0: {  	[sflag:s0] =	ssyncadd.remote.s32 $0x1  }
0xc1: {  	_ =	sfence.sel $0xFFFF  }
0xc2: {  	[dreg:$0x0] =	wrdreg $0xFFFFFFFF;
	(pc) =	sbr.abs _section_cstart, $3  }
0xc3: {  	[dreg:$0x1] =	wrdreg $0xFFFFFFFF  }
0xc4: {  	_ =	task.clear_ibuf [dreg:s9], $0x2FFFF;
	_ =	strace $0x9FFFFFFF  }
0xc5: {  	(tm) =	ssettm $0x7FFFFFFF  }
tec
execute0_lowered:
.L_overlay_start_1:
0x0: {  	(tag) =	ssettag $0x1  }
0x1: {  	s1 =	rddreg [dreg:$0x0]  }
0x2: {  	s0 =	rddreg [dreg:$0x1];
	s2 =	srdreg.scid  }
0x3: {  	s12 =	stileid.u32;
	s7 =	rddreg [dreg:$0x2]  }
0x4: {  	s3 =	simm.s32 $0x0;
	s13 =	simm.s32 $0x6400;
	s14 =	simm.s32 $0xA400  }
0x5: {  	s16 =	simm.s32 $0xE400;
	s17 =	simm.s32 $0x1;
	s19 =	simm.s32 $0x12400  }
0x6: {  	s20 =	simm.s32 $0x2;
	s22 =	simm.s32 $0x16400;
	s23 =	simm.s32 $0x3  }
0x7: {  	s28 =	simm.s32 $0x5;
	s29 =	simm.s32 $0x8;
	s30 =	simm.s32 $0x9  }
0x8: {  	s2 =	sand.u32 $0x1, s2;
	s4 =	sshll.u32 s12, $0x1;
	s24 =	smul.u32 $0xC8000, s12  }
0x9: {  	s4 =	sor.u32 s2, s4;
	s6 =	ssub.s32 $0x2, s2;
	s2 =	smul.u32 $0x64000, s2  }
0xa: {  	s31 =	simm.s32 $0xA;
	[smem:$0x7FF] =	sst s3;
	s5 =	smul.u32 $0x6400, s4  }
0xb: {  	s12 =	simm.s32 $0x80;
	s9 =	sshrl.u32 s6, $0x1;
	s10 =	smul.u32 $0x320000, s4  }
0xc: {  	_ =	strace $0x80000047;
	s8 =	smul.u32 $0x64000, s4;
	s11 =	ssub.s32 s6, s9  }
0xd: {  	s5 =	sshrl.u32 s5, $0x3;
	s25 =	sshrl.u32 s10, $0x3;
	s10 =	smax.u32 s11, $0x1  }
0xe: {  	s11 =	simm.s32 $0xB;
	s4 =	sadd.s32 s0, s5;
	s5 =	sadd.s32 s7, s8  }
0xf: {  	s26 =	sadd.s32 s7, s25;
	s0 =	sadd.s32 s24, s7;
	s24 =	simm.s32 $0x6  }
0x10: {  	s25 =	simm.s32 $0x4;
	s6 =	sadd.s32 $0x800, s5;
	s7 =	sadd.s32 $0x1000, s5  }
0x11: {  	s8 =	sadd.s32 $0x63000, s26;
	s0 =	sadd.s32 s2, s0;
	s9 =	sadd.s32 $0x63800, s26  }
0x12: {  	s26 =	simm.s32 $0x7;
	s2 =	simm.s32 $0x0;
	[dreg:$0x4] =	wrdreg s0  }
.LBB2_1:
0x13: {  	[tilespmem:s3], [sflag:$0xB] =	stream.linear.gather [hbm4b:s4+s3], $0x6400, $0x38;
	[tilespmem:$0x1A400] =	vst v63  }
0x14: {  	_ =	swait.ge [sflag:s11], $0x6400  }
0x15: {  	[sflag:s11] =	ssyncset.done $0x0  }
0x16: {  	[sflag:s11] =	ssyncadd.s32 $0xFFFF9C00  }
0x17: {  	[tilespmem:s13], [sflag:$0x1] =	stream.indirect.gather [hbm4b:s1+s12], $0x80, s3, s12, $0xb8;
	[tilespmem:$0x1A400] =	vst v63  }
0x18: {  	_ = 	snop  }
0x19: {  	[tilespmem:s14], [sflag:$0x2] =	stream.indirect.gather [hbm4b:s1+s12], $0x80, s12, s12, $0xb8;
	[tilespmem:$0x1A400] =	vst v63  }
0x1a: {  	s0 =	simm.s32 $0x100  }
0x1b: {  	[tilespmem:s16], [sflag:$0x3] =	stream.indirect.gather [hbm4b:s1+s12], $0x80, s0, s12, $0xb8;
	[tilespmem:$0x1A400] =	vst v63  }
0x1c: {  	_ =	swait.ge [sflag:s17], $0x4000  }
0x1d: {  	[sflag:s17] =	ssyncset.done $0x0  }
0x1e: {  	[sflag:s17] =	ssyncadd.s32 $0xFFFFC000  }
0x1f: {  	[hbm4b:s5+s3] =	stream.linear.scatter [tilespmem:s13], [sflag:$0x6], $0x4000, $0x38;
	[tilespmem:$0x1A400] =	vst v63  }
0x20: {  	s18 =	simm.s32 $0x180  }
0x21: {  	[tilespmem:s19], [sflag:$0x4] =	stream.indirect.gather [hbm4b:s1+s12], $0x80, s18, s12, $0xb8;
	[tilespmem:$0x1A400] =	vst v63  }
0x22: {  	_ =	swait.ge [sflag:s20], $0x4000  }
0x23: {  	[sflag:s20] =	ssyncset.done $0x0  }
0x24: {  	[sflag:s20] =	ssyncadd.s32 $0xFFFFC000  }
0x25: {  	[hbm4b:s6+s3] =	stream.linear.scatter [tilespmem:s14], [sflag:$0x7], $0x4000, $0x38;
	[tilespmem:$0x1A400] =	vst v63  }
0x26: {  	s21 =	simm.s32 $0x200  }
0x27: {  	[tilespmem:s22], [sflag:$0x5] =	stream.indirect.gather [hbm4b:s1+s12], $0x80, s21, s12, $0xb8;
	[tilespmem:$0x1A400] =	vst v63  }
0x28: {  	_ =	swait.ge [sflag:s23], $0x4000  }
0x29: {  	[sflag:s23] =	ssyncset.done $0x0  }
0x2a: {  	[sflag:s23] =	ssyncadd.s32 $0xFFFFC000  }
0x2b: {  	[hbm4b:s7+s3] =	stream.linear.scatter [tilespmem:s16], [sflag:$0x8], $0x4000, $0x38;
	[tilespmem:$0x1A400] =	vst v63  }
0x2c: {  	_ =	swait.ge [sflag:s24], $0x4000  }
0x2d: {  	[sflag:s24] =	ssyncset.done $0x0  }
0x2e: {  	s15 =	simm.s32 $0x280;
	[sflag:s24] =	ssyncadd.s32 $0xFFFFC000  }
0x2f: {  	[tilespmem:s13], [sflag:$0x1] =	stream.indirect.gather [hbm4b:s1+s12], $0x80, s15, s12, $0xb8;
	[tilespmem:$0x1A400] =	vst v63  }
0x30: {  	_ =	swait.ge [sflag:s25], $0x4000  }
0x31: {  	s18 =	rddreg [dreg:$0x4]  }
0x32: {  	[sflag:s25] =	ssyncset.done $0x0;
	s15 =	sadd.s32 $0x0, s18  }
0x33: {  	[sflag:s25] =	ssyncadd.s32 $0xFFFFC000;
	s0 =	sadd.s32 $0x1800, s15  }
0x34: {  	[hbm4b:s0+s3] =	stream.linear.scatter [tilespmem:s19], [sflag:$0x9], $0x4000, $0x38;
	[tilespmem:$0x1A400] =	vst v63  }
0x35: {  	_ =	swait.ge [sflag:s26], $0x4000  }
0x36: {  	[sflag:s26] =	ssyncset.done $0x0  }
0x37: {  	s21 =	simm.s32 $0x300;
	[sflag:s26] =	ssyncadd.s32 $0xFFFFC000  }
0x38: {  	[tilespmem:s14], [sflag:$0x2] =	stream.indirect.gather [hbm4b:s1+s12], $0x80, s21, s12, $0xb8;
	[tilespmem:$0x1A400] =	vst v63  }
0x39: {  	_ =	swait.ge [sflag:s28], $0x4000  }
0x3a: {  	[sflag:s28] =	ssyncset.done $0x0  }
0x3b: {  	s18 =	sadd.s32 $0x2000, s15;
	[sflag:s28] =	ssyncadd.s32 $0xFFFFC000  }
0x3c: {  	[hbm4b:s18+s3] =	stream.linear.scatter [tilespmem:s22], [sflag:$0xA], $0x4000, $0x38;
	[tilespmem:$0x1A400] =	vst v63  }
0x3d: {  	_ =	swait.ge [sflag:s29], $0x4000  }
0x3e: {  	[sflag:s29] =	ssyncset.done $0x0  }
0x3f: {  	s21 =	simm.s32 $0x380;
	[sflag:s29] =	ssyncadd.s32 $0xFFFFC000  }
0x40: {  	[tilespmem:s16], [sflag:$0x3] =	stream.indirect.gather [hbm4b:s1+s12], $0x80, s21, s12, $0xb8;
	[tilespmem:$0x1A400] =	vst v63  }
0x41: {  	_ =	swait.ge [sflag:s17], $0x4000  }
0x42: {  	[sflag:s17] =	ssyncset.done $0x0  }
0x43: {  	s18 =	sadd.s32 $0x2800, s15;
	[sflag:s17] =	ssyncadd.s32 $0xFFFFC000  }
0x44: {  	[hbm4b:s18+s3] =	stream.linear.scatter [tilespmem:s13], [sflag:$0x6], $0x4000, $0x38;
	[tilespmem:$0x1A400] =	vst v63  }
0x45: {  	_ =	swait.ge [sflag:s30], $0x4000  }
0x46: {  	[sflag:s30] =	ssyncset.done $0x0  }
0x47: {  	s21 =	simm.s32 $0x400;
	[sflag:s30] =	ssyncadd.s32 $0xFFFFC000  }
0x48: {  	[tilespmem:s19], [sflag:$0x4] =	stream.indirect.gather [hbm4b:s1+s12], $0x80, s21, s12, $0xb8;
	[tilespmem:$0x1A400] =	vst v63  }
0x49: {  	_ =	swait.ge [sflag:s20], $0x4000  }
0x4a: {  	[sflag:s20] =	ssyncset.done $0x0  }
0x4b: {  	s18 =	sadd.s32 $0x3000, s15;
	[sflag:s20] =	ssyncadd.s32 $0xFFFFC000  }
0x4c: {  	[hbm4b:s18+s3] =	stream.linear.scatter [tilespmem:s14], [sflag:$0x7], $0x4000, $0x38;
	[tilespmem:$0x1A400] =	vst v63  }
0x4d: {  	_ =	swait.ge [sflag:s31], $0x4000  }
0x4e: {  	[sflag:s31] =	ssyncset.done $0x0  }
0x4f: {  	s21 =	simm.s32 $0x480;
	[sflag:s31] =	ssyncadd.s32 $0xFFFFC000  }
0x50: {  	[tilespmem:s22], [sflag:$0x5] =	stream.indirect.gather [hbm4b:s1+s12], $0x80, s21, s12, $0xb8;
	[tilespmem:$0x1A400] =	vst v63  }
0x51: {  	_ =	swait.ge [sflag:s23], $0x4000  }
0x52: {  	s0 =	simm.s32 $0x2800;
	[sflag:s23] =	ssyncset.done $0x0  }
0x53: {  	s18 =	sadd.s32 $0x3800, s15;
	s15 =	simm.s32 $0x700;
	[sflag:s23] =	ssyncadd.s32 $0xFFFFC000  }
.LBB2_2:
0x54: {  	[hbm4b:s18+s3] =	stream.linear.scatter [tilespmem:s16], [sflag:$0x8], $0x4000, $0x38;
	[tilespmem:$0x1A400] =	vst v63  }
0x55: {  	_ =	swait.ge [sflag:s24], $0x4000  }
0x56: {  	[sflag:s24] =	ssyncset.done $0x0  }
0x57: {  	s21 =	sadd.s32 $0xFFFFFE00, s15;
	[sflag:s24] =	ssyncadd.s32 $0xFFFFC000  }
0x58: {  	[tilespmem:s13], [sflag:$0x1] =	stream.indirect.gather [hbm4b:s1+s12], $0x80, s21, s12, $0xb8;
	[tilespmem:$0x1A400] =	vst v63  }
0x59: {  	_ =	swait.ge [sflag:s25], $0x4000  }
0x5a: {  	s18 =	smov.u32 s0;
	s21 =	rddreg [dreg:$0x4]  }
0x5b: {  	[sflag:s25] =	ssyncset.done $0x0;
	s18 =	sadd.s32 s18, s21  }
0x5c: {  	[sflag:s25] =	ssyncadd.s32 $0xFFFFC000;
	s21 =	sadd.s32 $0x1800, s18  }
0x5d: {  	[hbm4b:s21+s3] =	stream.linear.scatter [tilespmem:s19], [sflag:$0x9], $0x4000, $0x38;
	[tilespmem:$0x1A400] =	vst v63  }
0x5e: {  	_ =	swait.ge [sflag:s26], $0x4000  }
0x5f: {  	[sflag:s26] =	ssyncset.done $0x0  }
0x60: {  	s21 =	sadd.s32 $0xFFFFFE80, s15;
	[sflag:s26] =	ssyncadd.s32 $0xFFFFC000  }
0x61: {  	[tilespmem:s14], [sflag:$0x2] =	stream.indirect.gather [hbm4b:s1+s12], $0x80, s21, s12, $0xb8;
	[tilespmem:$0x1A400] =	vst v63  }
0x62: {  	_ =	swait.ge [sflag:s28], $0x4000  }
0x63: {  	[sflag:s28] =	ssyncset.done $0x0  }
0x64: {  	s21 =	sadd.s32 $0x2000, s18;
	[sflag:s28] =	ssyncadd.s32 $0xFFFFC000  }
0x65: {  	[hbm4b:s21+s3] =	stream.linear.scatter [tilespmem:s22], [sflag:$0xA], $0x4000, $0x38;
	[tilespmem:$0x1A400] =	vst v63  }
0x66: {  	_ =	swait.ge [sflag:s29], $0x4000  }
0x67: {  	[sflag:s29] =	ssyncset.done $0x0  }
0x68: {  	s21 =	sadd.s32 $0xFFFFFF00, s15;
	[sflag:s29] =	ssyncadd.s32 $0xFFFFC000  }
0x69: {  	[tilespmem:s16], [sflag:$0x3] =	stream.indirect.gather [hbm4b:s1+s12], $0x80, s21, s12, $0xb8;
	[tilespmem:$0x1A400] =	vst v63  }
0x6a: {  	_ =	swait.ge [sflag:s17], $0x4000  }
0x6b: {  	[sflag:s17] =	ssyncset.done $0x0  }
0x6c: {  	s21 =	sadd.s32 $0x2800, s18;
	[sflag:s17] =	ssyncadd.s32 $0xFFFFC000  }
0x6d: {  	[hbm4b:s21+s3] =	stream.linear.scatter [tilespmem:s13], [sflag:$0x6], $0x4000, $0x38;
	[tilespmem:$0x1A400] =	vst v63  }
0x6e: {  	_ =	swait.ge [sflag:s30], $0x4000  }
0x6f: {  	[sflag:s30] =	ssyncset.done $0x0  }
0x70: {  	s21 =	sadd.s32 $0xFFFFFF80, s15;
	[sflag:s30] =	ssyncadd.s32 $0xFFFFC000  }
0x71: {  	[tilespmem:s19], [sflag:$0x4] =	stream.indirect.gather [hbm4b:s1+s12], $0x80, s21, s12, $0xb8;
	[tilespmem:$0x1A400] =	vst v63  }
0x72: {  	_ =	swait.ge [sflag:s20], $0x4000  }
0x73: {  	[sflag:s20] =	ssyncset.done $0x0  }
0x74: {  	s21 =	sadd.s32 $0x3000, s18;
	[sflag:s20] =	ssyncadd.s32 $0xFFFFC000  }
0x75: {  	[hbm4b:s21+s3] =	stream.linear.scatter [tilespmem:s14], [sflag:$0x7], $0x4000, $0x38;
	[tilespmem:$0x1A400] =	vst v63  }
0x76: {  	_ =	swait.ge [sflag:s31], $0x4000  }
0x77: {  	p0 =	sne.s32 s0, $0x5F000;
	[sflag:s31] =	ssyncset.done $0x0  }
.Ltmp0:
0x78: {  	[sflag:s31] =	ssyncadd.s32 $0xFFFFC000;
	(pc) =	sbr.rel @p0 .LBB2_2-.Ltmp0, $4  }
0x79: {  	[tilespmem:s22], [sflag:$0x5] =	stream.indirect.gather [hbm4b:s1+s12], $0x80, s15, s12, $0xb8;
	[tilespmem:$0x1A400] =	vst v63  }
0x7a: {  	_ =	swait.ge [sflag:s23], $0x4000  }
0x7b: {  	s0 =	sadd.s32 $0x2800, s0;
	[sflag:s23] =	ssyncset.done $0x0  }
0x7c: {  	s18 =	sadd.s32 $0x3800, s18;
	s15 =	sadd.s32 $0x280, s15;
	[sflag:s23] =	ssyncadd.s32 $0xFFFFC000  }
0x7d: {  	[hbm4b:s18+s3] =	stream.linear.scatter [tilespmem:s16], [sflag:$0x8], $0x4000, $0x38;
	[tilespmem:$0x1A400] =	vst v63  }
0x7e: {  	_ =	swait.ge [sflag:s25], $0x4000  }
0x7f: {  	[sflag:s25] =	ssyncset.done $0x0  }
0x80: {  	[sflag:s25] =	ssyncadd.s32 $0xFFFFC000  }
0x81: {  	[hbm4b:s8+s3] =	stream.linear.scatter [tilespmem:s19], [sflag:$0x9], $0x4000, $0x38;
	[tilespmem:$0x1A400] =	vst v63  }
0x82: {  	_ =	swait.ge [sflag:s28], $0x4000  }
0x83: {  	[sflag:s28] =	ssyncset.done $0x0  }
0x84: {  	[sflag:s28] =	ssyncadd.s32 $0xFFFFC000  }
0x85: {  	[hbm4b:s9+s3] =	stream.linear.scatter [tilespmem:s22], [sflag:$0xA], $0x4000, $0x38;
	[tilespmem:$0x1A400] =	vst v63  }
0x86: {  	_ =	swait.ge [sflag:s24], $0x4000  }
0x87: {  	[sflag:s24] =	ssyncset.done $0x0  }
0x88: {  	[sflag:s24] =	ssyncadd.s32 $0xFFFFC000  }
0x89: {  	_ =	swait.ge [sflag:s26], $0x4000  }
0x8a: {  	[sflag:s26] =	ssyncset.done $0x0  }
0x8b: {  	[sflag:s26] =	ssyncadd.s32 $0xFFFFC000  }
0x8c: {  	_ =	swait.ge [sflag:s29], $0x4000  }
0x8d: {  	[sflag:s29] =	ssyncset.done $0x0  }
0x8e: {  	s2 =	sadd.s32 $0x1, s2;
	[sflag:s29] =	ssyncadd.s32 $0xFFFFC000  }
0x8f: {  	p0 =	sne.s32 s2, s10;
	_ =	swait.ge [sflag:s30], $0x4000  }
.Ltmp1:
0x90: {  	[sflag:s30] =	ssyncset.done $0x0;
	(pc) =	sbr.rel @p0 .LBB2_1-.Ltmp1, $4  }
0x91: {  	[sflag:s30] =	ssyncadd.s32 $0xFFFFC000  }
0x92: {  	_ =	swait.ge [sflag:s31], $0x4000  }
0x93: {  	[sflag:s31] =	ssyncset.done $0x0  }
0x94: {  	[sflag:s31] =	ssyncadd.s32 $0xFFFFC000  }
0x95: {  	_ =	sfence.sel $0x180000  }
0x96: {  	[bflag:$0x0] =	sbarrier.arrive $0xFFFF  }
0x97: {  	_ =	strace $0x90000047  }
0x98: {  	s0 =	stileid.u32;
	[bflag:$0x2] =	sbarrier.arrive $0xFFFF  }
0x99: {  	p0 =	sne.s32 s0, $0x0;
	s0 =	rddreg [dreg:$0x3]  }
0x9a: {  	s0 =	sadd.s32 @!p0 $0x100000, s0  }
0x9b: {  	[sflag:s0] =	ssyncadd.tile.s32 @!p0 $0x1;
	_ =	shalt  }
.Lfunc_end2:
_tile_overlayer_lowered:
.L_overlay_start_2:
0x9c: {  	(tag) =	ssettag $0x2  }
0x9d: {  	s0 =	rddreg [dreg:$0x0];
	s2 =	stileid.u32  }
0x9e: {  	s1 =	rddreg [dreg:$0x1];
	p0 =	sne.s32 s2, $0x0  }
0x9f: {  	s3 =	rddreg [dreg:$0x2];
	[bflag:$0x3] =	sbarrier.arrive $0xFFFF;
	s2 =	simm.s32 @!p0 $0x1C0B  }
0xa0: {  	[timem:s3], [sflag:s2] =	dma.local @!p0 [hbm:s0], s1  }
0xa1: {  	s0 =	simm.s32 @!p0 $0xB  }
0xa2: {  	_ =	swait.ge @!p0 [sflag:s0], s1  }
0xa3: {  	s1 =	ssub.s32 @!p0 $0x0, s1;
	[sflag:s0] =	ssyncset.done @!p0 $0x0  }
0xa4: {  	[sflag:s0] =	ssyncadd.s32 @!p0 s1  }
0xa5: {  	[bflag:$0x3] =	sbarrier.arrive $0xFFFF  }
0xa6: {  	_ =	shalt  }

</sc_bundles>
